<compile_context>
chip_gen: v7x
topology: tpu7x:2x2x1
jax: 0.10.2.dev20260603
libtpu: 0.0.44.dev20260713+nightly
codegen_flags: <defaults>
</compile_context>

<pallas_src>
import functools

import jax
import jax.numpy as jnp
import numpy as np
from jax import lax
from jax.experimental import pallas as pl
from jax.experimental.pallas import tpu as pltpu
from jax.experimental.pallas import tpu_sc as plsc

N = 10000
E = 320000
HID = 128
NH = 8
HD = HID // NH
EPS = 1e-5

NC = 2
NS = 16
NW = NC * NS
LANES = 16

NPAD = 10240
DW = 8
OW = HID + DW
ZB = 40
EPW = E // NW
CHUNK = 40
NCHUNK = EPW // CHUNK


def _swap_halves(acc, idx_swap):
  _, rot = plsc.sort_key_val(idx_swap, acc)
  return acc + rot


def _store_head_sums(msgbuf, e, ee, mask):
  erow = jnp.full((LANES,), e, jnp.int32)
  lane = jax.lax.iota(jnp.int32, LANES) + HID
  plsc.store_scatter(msgbuf, [erow, lane], ee, mask=mask)


def _unpack2(buf, e, j):
  packed = plsc.bitcast(buf[e, pl.ds(j * LANES, LANES)], jnp.bfloat16)
  return plsc.unpack(packed, format=plsc.PackFormat.INTERLEAVED)


def _dot_acc(qbuf, kvbuf, e):
  acc = None
  for j in range(HID // 32):
    qa, qb = _unpack2(qbuf, e, j)
    ka, kb = _unpack2(kvbuf, e, j)
    t = qa * ka + qb * kb
    acc = t if acc is None else acc + t
  return acc


def _scale_v(kvbuf, msgbuf, e, ee):
  for j in range(HID // 32):
    va, vb = _unpack2(kvbuf, e, j + HID // 32)
    msgbuf[e, pl.ds(j * 32, LANES)] = ee * va
    msgbuf[e, pl.ds(j * 32 + LANES, LANES)] = ee * vb


def _core_subcore():
  return lax.axis_index("c"), lax.axis_index("s")


def _barrier():
  plsc.subcore_barrier()


def _zero_rows(ref, nrows, width):
  z = jnp.zeros((LANES,), jnp.float32)
  if width % LANES == 0:
    def body(i, _):
      r = i // (width // LANES)
      c = (i % (width // LANES)) * LANES
      ref[r, pl.ds(c, LANES)] = z
      return 0

    lax.fori_loop(0, nrows * (width // LANES), body, 0, unroll=False)
  else:
    lane = jax.lax.iota(jnp.int32, LANES)

    def body(i, _):
      flat = i * LANES + lane
      plsc.store_scatter(ref, [flat // width, flat % width], z)
      return 0

    lax.fori_loop(0, nrows * width // LANES, body, 0, unroll=False)


def _init_shared_acc(zbuf, acc, sid, zrows, nblocks):
  _zero_rows(zbuf, zrows, zbuf.shape[1])
  for i in range(nblocks):
    pltpu.sync_copy(zbuf.at[pl.ds(0, zrows)],
                    acc.at[pl.ds(sid * (NPAD // NS) + i * zrows, zrows)])


def _scatter_add_start(src_ref, dst_ref, idx_ref, sem):
  pltpu.async_copy(src_ref, dst_ref.at[idx_ref], sem, add=True)


def _scatter_add_wait(src_ref, dst_ref, idx_ref, sem):
  pltpu.make_async_copy(src_ref, dst_ref.at[idx_ref], sem).wait()


def _gather_start(table_hbm, idx_ref, dst_ref, sem):
  pltpu.async_copy(table_hbm.at[idx_ref], dst_ref, sem)


def _gather_wait(table_hbm, idx_ref, dst_ref, sem):
  pltpu.make_async_copy(table_hbm.at[idx_ref], dst_ref, sem).wait()


def _edge_body(rc_hbm, q_hbm, kv_hbm, opart_hbm,
               rcv0, qbuf0, kvbuf0, msgbuf0,
               rcv1, qbuf1, kvbuf1, msgbuf1,
               oacc, semq, semkv, sems0, sems1):
  cid, sid = _core_subcore()
  wid = sid * NC + cid

  _init_shared_acc(msgbuf0, oacc, sid, ZB, NPAD // NS // ZB)
  _barrier()

  idx_swap = jax.lax.iota(jnp.int32, LANES) ^ 8
  head_mask = jax.lax.iota(jnp.int32, LANES) < NH

  bufs = ((rcv0, qbuf0, kvbuf0, msgbuf0, sems0),
          (rcv1, qbuf1, kvbuf1, msgbuf1, sems1))

  def load_and_gather(c, par):
    rcv, qbuf, kvbuf, _, _ = bufs[par]
    pltpu.sync_copy(rc_hbm.at[pl.ds((wid * NCHUNK + c) * 2, 2)], rcv)
    _gather_start(q_hbm, rcv.at[0], qbuf, semq)
    _gather_start(kv_hbm, rcv.at[1], kvbuf, semkv)

  def process(c, par):
    rcv, qbuf, kvbuf, msgbuf, sems = bufs[par]
    prcv, pqbuf, pkvbuf, pmsgbuf, psems = bufs[1 - par]

    @pl.when(c > 0)
    def _():
      _scatter_add_wait(pmsgbuf, oacc, prcv.at[0], psems)

    @pl.when(c + 1 < NCHUNK)
    def _():
      load_and_gather(c + 1, 1 - par)

    _gather_wait(q_hbm, rcv.at[0], qbuf, semq)
    _gather_wait(kv_hbm, rcv.at[1], kvbuf, semkv)

    def edge_iter(e, _):
      acc = _dot_acc(qbuf, kvbuf, e)
      folded = _swap_halves(acc, idx_swap)
      ee = jnp.exp(folded)
      _store_head_sums(msgbuf, e, ee, head_mask)
      _scale_v(kvbuf, msgbuf, e, ee)
      return 0

    lax.fori_loop(0, CHUNK, edge_iter, 0, unroll=False)

    _scatter_add_start(msgbuf, oacc, rcv.at[0], sems)

  load_and_gather(0, 0)

  def pair_body(t, _):
    process(2 * t, 0)
    process(2 * t + 1, 1)
    return 0

  lax.fori_loop(0, NCHUNK // 2, pair_body, 0, unroll=False)

  _scatter_add_wait(msgbuf1, oacc, rcv1.at[0], sems1)

  _barrier()
  pltpu.sync_copy(oacc.at[pl.ds(sid * (NPAD // NS), NPAD // NS)],
                  opart_hbm.at[cid, pl.ds(sid * (NPAD // NS), NPAD // NS)])


def _edge_call(rc, q, kv):
  vmem_set = lambda: (
      pltpu.VMEM((2, CHUNK), jnp.int32),
      pltpu.VMEM((CHUNK, HID // 2), jnp.int32),
      pltpu.VMEM((CHUNK, HID), jnp.int32),
      pltpu.VMEM((CHUNK, OW), jnp.float32),
  )
  kfn = pl.kernel(
      _edge_body,
      out_type=jax.ShapeDtypeStruct((NC, NPAD, OW), jnp.float32),
      mesh=plsc.VectorSubcoreMesh(core_axis_name="c", subcore_axis_name="s",
                                  num_cores=NC, num_subcores=NS),
      compiler_params=pltpu.CompilerParams(needs_layout_passes=False,
                                           use_tc_tiling_on_sc=False),
      scratch_types=(
          *vmem_set(),
          *vmem_set(),
          pltpu.VMEM_SHARED((NPAD, OW), jnp.float32),
          pltpu.SemaphoreType.DMA,
          pltpu.SemaphoreType.DMA,
          pltpu.SemaphoreType.DMA,
          pltpu.SemaphoreType.DMA,
      ),
  )
  return kfn(rc, q, kv)


def _qkv_body(h_ref, wq_ref, bq_ref, wk_ref, bk_ref, wv_ref, bv_ref,
              q_ref, k_ref, v_ref):
  h = h_ref[...]
  scaling = HD ** (-0.5)
  q = (jnp.dot(h, wq_ref[...], preferred_element_type=jnp.float32)
       + bq_ref[...]) * scaling
  k = jnp.dot(h, wk_ref[...], preferred_element_type=jnp.float32) + bk_ref[...]
  v = jnp.dot(h, wv_ref[...], preferred_element_type=jnp.float32) + bv_ref[...]
  q_ref[...] = q.astype(jnp.bfloat16)
  k_ref[...] = k.astype(jnp.bfloat16)
  v_ref[...] = v.astype(jnp.bfloat16)


def _qkv_call(h, Wq, bq, Wk, bk, Wv, bv):
  return pl.pallas_call(
      _qkv_body,
      out_shape=(
          jax.ShapeDtypeStruct((N, HID), jnp.bfloat16),
          jax.ShapeDtypeStruct((N, HID), jnp.bfloat16),
          jax.ShapeDtypeStruct((N, HID), jnp.bfloat16),
      ),
  )(h, Wq, bq.reshape(1, HID), Wk, bk.reshape(1, HID), Wv, bv.reshape(1, HID))


def _gelu(x):
  return 0.5 * x * (1.0 + lax.erf(x * jnp.float32(0.7071067811865476)))


BLK = 2000
NBLK = N // BLK


def _accum_stats(x, acc_ref):
  @pl.when(pl.program_id(0) == 0)
  def _():
    acc_ref[...] = jnp.zeros_like(acc_ref)
  s = jnp.sum(x, axis=0, keepdims=True)
  ss = jnp.sum(x * x, axis=0, keepdims=True)
  acc_ref[0:1, :] += s
  acc_ref[1:2, :] += ss


def _apply_bn(x, stats, gamma, beta):
  mean = stats[0:1, :] * (1.0 / N)
  var = stats[1:2, :] * (1.0 / N) - mean * mean
  return (x - mean) * jax.lax.rsqrt(var + EPS) * gamma + beta


def _mha_body(opart_ref, h_ref, wo_ref, bo_ref, x1_ref, st_ref, acc_ref):
  op0 = opart_ref[0]
  op1 = opart_ref[1]
  agg = op0[:, :HID] + op1[:, :HID]
  dsum = op0[:, HID:] + op1[:, HID:]
  rden = 1.0 / jnp.maximum(dsum, 1e-30)
  agg = agg * jnp.tile(rden, (1, HID // NH))
  x1 = (jnp.dot(agg, wo_ref[...], preferred_element_type=jnp.float32)
        + bo_ref[...]) + h_ref[...]
  x1_ref[...] = x1
  _accum_stats(x1, acc_ref)

  @pl.when(pl.program_id(0) == NBLK - 1)
  def _():
    st_ref[...] = acc_ref[...]


def _mha_call(opart, h, Wo, bo):
  return pl.pallas_call(
      _mha_body,
      grid=(NBLK,),
      in_specs=[
          pl.BlockSpec((2, BLK, OW), lambda i: (0, i, 0)),
          pl.BlockSpec((BLK, HID), lambda i: (i, 0)),
          pl.BlockSpec((HID, HID), lambda i: (0, 0)),
          pl.BlockSpec((1, HID), lambda i: (0, 0)),
      ],
      out_specs=[
          pl.BlockSpec((BLK, HID), lambda i: (i, 0)),
          pl.BlockSpec((8, HID), lambda i: (0, 0)),
      ],
      out_shape=[
          jax.ShapeDtypeStruct((N, HID), jnp.float32),
          jax.ShapeDtypeStruct((8, HID), jnp.float32),
      ],
      scratch_shapes=[pltpu.VMEM((8, HID), jnp.float32)],
  )(opart, h, Wo, bo.reshape(1, HID))


def _ffn_body(x1_ref, st1_ref, w1_ref, b1_ref, w2_ref, b2_ref, g1_ref,
              be1_ref, y_ref, st_ref, acc_ref):
  h1 = _gelu(_apply_bn(x1_ref[...], st1_ref[...], g1_ref[...], be1_ref[...]))
  ffn = jnp.dot(_gelu(jnp.dot(h1, w1_ref[...],
                              preferred_element_type=jnp.float32)
                      + b1_ref[...]),
                w2_ref[...], preferred_element_type=jnp.float32) + b2_ref[...]
  y = h1 + ffn
  y_ref[...] = y
  _accum_stats(y, acc_ref)

  @pl.when(pl.program_id(0) == NBLK - 1)
  def _():
    st_ref[...] = acc_ref[...]


def _ffn_call(x1, st1, W1, b1, W2, b2, g1, be1):
  return pl.pallas_call(
      _ffn_body,
      grid=(NBLK,),
      in_specs=[
          pl.BlockSpec((BLK, HID), lambda i: (i, 0)),
          pl.BlockSpec((8, HID), lambda i: (0, 0)),
          pl.BlockSpec((HID, 2 * HID), lambda i: (0, 0)),
          pl.BlockSpec((1, 2 * HID), lambda i: (0, 0)),
          pl.BlockSpec((2 * HID, HID), lambda i: (0, 0)),
          pl.BlockSpec((1, HID), lambda i: (0, 0)),
          pl.BlockSpec((1, HID), lambda i: (0, 0)),
          pl.BlockSpec((1, HID), lambda i: (0, 0)),
      ],
      out_specs=[
          pl.BlockSpec((BLK, HID), lambda i: (i, 0)),
          pl.BlockSpec((8, HID), lambda i: (0, 0)),
      ],
      out_shape=[
          jax.ShapeDtypeStruct((N, HID), jnp.float32),
          jax.ShapeDtypeStruct((8, HID), jnp.float32),
      ],
      scratch_shapes=[pltpu.VMEM((8, HID), jnp.float32)],
  )(x1, st1, W1, b1.reshape(1, 2 * HID), W2, b2.reshape(1, HID),
    g1.reshape(1, HID), be1.reshape(1, HID))


def _bn2_body(y_ref, st2_ref, g2_ref, be2_ref, out_ref):
  out_ref[...] = _apply_bn(y_ref[...], st2_ref[...], g2_ref[...], be2_ref[...])


def _bn2_call(y, st2, g2, be2):
  return pl.pallas_call(
      _bn2_body,
      grid=(NBLK,),
      in_specs=[
          pl.BlockSpec((BLK, HID), lambda i: (i, 0)),
          pl.BlockSpec((8, HID), lambda i: (0, 0)),
          pl.BlockSpec((1, HID), lambda i: (0, 0)),
          pl.BlockSpec((1, HID), lambda i: (0, 0)),
      ],
      out_specs=pl.BlockSpec((BLK, HID), lambda i: (i, 0)),
      out_shape=jax.ShapeDtypeStruct((N, HID), jnp.float32),
  )(y, st2, g2.reshape(1, HID), be2.reshape(1, HID))


def _qkv_col_perm():
  p = np.empty((HID,), dtype=np.int32)
  for j in range(HID // 32):
    for l in range(16):
      for t in range(2):
        p[32 * j + 2 * l + t] = 32 * j + 16 * t + l
  return jnp.asarray(p)


@jax.jit
def kernel(edge_index, h, Wq, bq, Wk, bk, Wv, bv, Wo, bo, W1, b1, W2, b2,
           g1, be1, g2, be2):
  perm = _qkv_col_perm()
  q, k, v = _qkv_call(h, Wq[:, perm], bq[perm], Wk[:, perm], bk[perm],
                      Wv[:, perm], bv[perm])
  as_i32 = lambda x: lax.bitcast_convert_type(
      x.reshape(N, HID // 2, 2), jnp.int32)
  kv = jnp.concatenate([as_i32(k), as_i32(v)], axis=1)
  rc = jnp.transpose(edge_index.reshape(2, NW, NCHUNK, CHUNK),
                     (1, 2, 0, 3)).reshape(NW * NCHUNK * 2, CHUNK)
  opart = _edge_call(rc, as_i32(q), kv)
  x1, st1 = _mha_call(opart, h, Wo, bo)
  y, st2 = _ffn_call(x1, st1, W1, b1, W2, b2, g1, be1)
  return _bn2_call(y, st2, g2, be2)

# --- scband reference (transcript-rebuilt; emitter-appended) ---
"""Pipeline reference for scband-gtlayer-1357209665642 (READ-ONLY COPY).

The authoritative reference and input builder live on the scoring server;
editing this copy changes nothing except your own understanding.
"""

import jax, jax.numpy as jnp
import numpy as np

N = 10000
E = 320000
HID = 128
NH = 8
HD = HID // NH
EPS = 1e-5


def setup_inputs(seed: int = 0) -> dict:
    key = jax.random.key(seed)
    ks = jax.random.split(key, 20)
    s = 0.05
    inp = {}
    inp['edge_index'] = jax.random.randint(ks[0], (2, E), 0, N, dtype=jnp.int32)
    inp['h'] = jax.random.normal(ks[1], (N, HID), dtype=jnp.float32)
    inp['Wq'] = jax.random.normal(ks[2], (HID, HID), dtype=jnp.float32) * s
    inp['bq'] = jnp.zeros((HID,), dtype=jnp.float32)
    inp['Wk'] = jax.random.normal(ks[3], (HID, HID), dtype=jnp.float32) * s
    inp['bk'] = jnp.zeros((HID,), dtype=jnp.float32)
    inp['Wv'] = jax.random.normal(ks[4], (HID, HID), dtype=jnp.float32) * s
    inp['bv'] = jnp.zeros((HID,), dtype=jnp.float32)
    inp['Wo'] = jax.random.normal(ks[5], (HID, HID), dtype=jnp.float32) * s
    inp['bo'] = jnp.zeros((HID,), dtype=jnp.float32)
    inp['W1'] = jax.random.normal(ks[6], (HID, 2 * HID), dtype=jnp.float32) * s
    inp['b1'] = jnp.zeros((2 * HID,), dtype=jnp.float32)
    inp['W2'] = jax.random.normal(ks[7], (2 * HID, HID), dtype=jnp.float32) * s
    inp['b2'] = jnp.zeros((HID,), dtype=jnp.float32)
    inp['g1'] = jnp.ones((HID,), dtype=jnp.float32)
    inp['be1'] = jnp.zeros((HID,), dtype=jnp.float32)
    inp['g2'] = jnp.ones((HID,), dtype=jnp.float32)
    inp['be2'] = jnp.zeros((HID,), dtype=jnp.float32)
    return inp


def _batchnorm(x, gamma, beta):
    mean = jnp.mean(x, axis=0)
    var = jnp.mean((x - mean) ** 2, axis=0)
    return (x - mean) / jnp.sqrt(var + EPS) * gamma + beta


def reference(edge_index, h, Wq, bq, Wk, bk, Wv, bv, Wo, bo, W1, b1, W2, b2, g1, be1, g2, be2):
    row = edge_index[0]
    col = edge_index[1]
    scaling = HD ** (-0.5)
    q = (h @ Wq + bq).reshape(N, HD, NH) * scaling
    k = (h @ Wk + bk).reshape(N, HD, NH)
    v = (h @ Wv + bv).reshape(N, HD, NH)
    # sparse SDDMM: per-edge, per-head attention logits
    s = jnp.einsum('edh,edh->eh', q[row], k[col])  # (E, NH)
    # sparse softmax over each row's neighbors
    m = jax.lax.stop_gradient(jax.ops.segment_max(s, row, num_segments=N))
    e = jnp.exp(s - m[row])
    denom = jax.ops.segment_sum(e, row, num_segments=N)
    attn = e / jnp.maximum(denom[row], 1e-30)  # (E, NH)
    # sparse SpMM
    msg = attn[:, None, :] * v[col]  # (E, HD, NH)
    out = jax.ops.segment_sum(msg, row, num_segments=N)  # (N, HD, NH)
    mha = out.reshape(N, HID) @ Wo + bo
    h1 = _batchnorm(mha + h, g1, be1)
    h1 = jax.nn.gelu(h1, approximate=False)
    ffn = jax.nn.gelu(h1 @ W1 + b1, approximate=False) @ W2 + b2
    return _batchnorm(h1 + ffn, g2, be2)

if __name__ == "__main__":
    import jax
    _d = setup_inputs()
    print(jax.jit(kernel)(*tuple(_d.values())))

</pallas_src>

<mosaic_0001>
#map = affine_map<(d0, d1) -> (0, 0)>
#map1 = affine_map<(d0, d1) -> (0, 0, 0)>
module attributes {stable_mosaic.version = 14 : i64} {
  func.func @_edge_body(%arg0: i32, %arg1: i32, %arg2: memref<16000x40xi32, #tpu.memory_space<hbm>>, %arg3: memref<10000x64xi32, #tpu.memory_space<hbm>>, %arg4: memref<10000x128xi32, #tpu.memory_space<hbm>>, %arg5: memref<2x10240x136xf32, #tpu.memory_space<hbm>>, %arg6: memref<2x40xi32, #tpu.memory_space<vmem>>, %arg7: memref<40x64xi32, #tpu.memory_space<vmem>>, %arg8: memref<40x128xi32, #tpu.memory_space<vmem>>, %arg9: memref<40x136xf32, #tpu.memory_space<vmem>>, %arg10: memref<2x40xi32, #tpu.memory_space<vmem>>, %arg11: memref<40x64xi32, #tpu.memory_space<vmem>>, %arg12: memref<40x128xi32, #tpu.memory_space<vmem>>, %arg13: memref<40x136xf32, #tpu.memory_space<vmem>>, %arg14: memref<10240x136xf32, #tpu.memory_space<vmem_shared>>, %arg15: memref<!tpu.dma_semaphore, #tpu.memory_space<semaphore_mem>>, %arg16: memref<!tpu.dma_semaphore, #tpu.memory_space<semaphore_mem>>, %arg17: memref<!tpu.dma_semaphore, #tpu.memory_space<semaphore_mem>>, %arg18: memref<!tpu.dma_semaphore, #tpu.memory_space<semaphore_mem>>) attributes {dimension_semantics = [#tpu.dimension_semantics<core_parallel>, #tpu.dimension_semantics<subcore_parallel>], iteration_bounds = array<i64: 2, 16>, scalar_prefetch = 0 : i64, scratch_operands = 13 : i64, tpu.core_type = #tpu.core_type<sc_vector_subcore>, window_params = [{transform_indices = #map}, {transform_indices = #map}, {transform_indices = #map}, {transform_indices = #map1}]} {
    %mul3A = arith.constant 2 : i32
    %mul3A_0 = arith.muli %arg1, %mul3A : i32
    %add3A = arith.addi %mul3A_0, %arg0 : i32
    %broadcast_in_dim3A = arith.constant 0.000000e+00 : f32
    %broadcast_in_dim3A_1 = vector.broadcast %broadcast_in_dim3A : f32 to vector<16xf32>
    %iota3A = tpu.iota {dimensions = array<i32: 0>} : vector<16xi32>
    %scan3A = arith.constant 0 : i32
    %scan3A_2 = arith.constant 0 : i32
    %scan3A_3 = arith.constant 340 : i32
    %scan3A_4 = arith.addi %scan3A_2, %scan3A_3 : i32
    %scan3A_5 = arith.constant 1 : i32
    %scan3A_6 = scf.for %scan3A_115 = %scan3A_2 to %scan3A_4 step %scan3A_5 iter_args(%scan3A_116 = %scan3A) -> (i32)  : i32 {
      %mul3A_117 = arith.constant 16 : i32
      %mul3A_118 = arith.muli %scan3A_115, %mul3A_117 : i32
      %add3A_119 = vector.broadcast %mul3A_118 : i32 to vector<16xi32>
      %add3A_120 = arith.addi %add3A_119, %iota3A : vector<16xi32>
      %jit3A = arith.constant 136 : i32
      %div3A = vector.broadcast %jit3A : i32 to vector<16xi32>
      %div3A_121 = arith.divsi %add3A_120, %div3A : vector<16xi32>
      %sign3A = arith.constant 0 : i32
      %sign3A_122 = vector.broadcast %sign3A : i32 to vector<16xi32>
      %sign3A_123 = arith.cmpi sgt, %add3A_120, %sign3A_122 : vector<16xi32>
      %sign3A_124 = arith.extui %sign3A_123 : vector<16xi1> to vector<16xi32>
      %sign3A_125 = arith.constant 0 : i32
      %sign3A_126 = vector.broadcast %sign3A_125 : i32 to vector<16xi32>
      %sign3A_127 = arith.cmpi slt, %add3A_120, %sign3A_126 : vector<16xi32>
      %sign3A_128 = arith.extui %sign3A_127 : vector<16xi1> to vector<16xi32>
      %sign3A_129 = arith.subi %sign3A_124, %sign3A_128 : vector<16xi32>
      %sign3A_130 = arith.constant 0 : i32
      %sign3A_131 = arith.cmpi sgt, %jit3A, %sign3A_130 : i32
      %sign3A_132 = arith.extui %sign3A_131 : i1 to i32
      %sign3A_133 = arith.constant 0 : i32
      %sign3A_134 = arith.cmpi slt, %jit3A, %sign3A_133 : i32
      %sign3A_135 = arith.extui %sign3A_134 : i1 to i32
      %sign3A_136 = arith.subi %sign3A_132, %sign3A_135 : i32
      %ne3A = vector.broadcast %sign3A_136 : i32 to vector<16xi32>
      %ne3A_137 = arith.cmpi ne, %sign3A_129, %ne3A : vector<16xi32>
      %rem3A = vector.broadcast %jit3A : i32 to vector<16xi32>
      %rem3A_138 = arith.remsi %add3A_120, %rem3A : vector<16xi32>
      %ne3A_139 = arith.constant 0 : i32
      %ne3A_140 = vector.broadcast %ne3A_139 : i32 to vector<16xi32>
      %ne3A_141 = arith.cmpi ne, %rem3A_138, %ne3A_140 : vector<16xi32>
      %and3A = arith.andi %ne3A_137, %ne3A_141 : vector<16xi1>
      %sub3A = arith.constant 1 : i32
      %sub3A_142 = vector.broadcast %sub3A : i32 to vector<16xi32>
      %sub3A_143 = arith.subi %div3A_121, %sub3A_142 : vector<16xi32>
      %select_n3A = arith.select %and3A, %sub3A_143, %div3A_121 : vector<16xi1>, vector<16xi32>
      %jit3A_144 = arith.constant 136 : i32
      %eq3A = arith.constant 0 : i32
      %eq3A_145 = arith.cmpi eq, %jit3A_144, %eq3A : i32
      %jit3A_146 = arith.constant 1 : i32
      %select_n3A_147 = arith.select %eq3A_145, %jit3A_146, %jit3A_144 : i32
      %rem3A_148 = vector.broadcast %select_n3A_147 : i32 to vector<16xi32>
      %rem3A_149 = arith.remsi %add3A_120, %rem3A_148 : vector<16xi32>
      %ne3A_150 = arith.constant 0 : i32
      %ne3A_151 = vector.broadcast %ne3A_150 : i32 to vector<16xi32>
      %ne3A_152 = arith.cmpi ne, %rem3A_149, %ne3A_151 : vector<16xi32>
      %lt3A_153 = arith.constant 0 : i32
      %lt3A_154 = vector.broadcast %lt3A_153 : i32 to vector<16xi32>
      %lt3A_155 = arith.cmpi slt, %rem3A_149, %lt3A_154 : vector<16xi32>
      %lt3A_156 = arith.constant 0 : i32
      %lt3A_157 = arith.cmpi slt, %select_n3A_147, %lt3A_156 : i32
      %ne3A_158 = vector.broadcast %lt3A_157 : i1 to vector<16xi1>
      %ne3A_159 = vector.broadcast %ne3A_158 : vector<16xi1> to vector<16xi1>
      %ne3A_160 = arith.xori %lt3A_155, %ne3A_159 : vector<16xi1>
      %and3A_161 = arith.andi %ne3A_160, %ne3A_152 : vector<16xi1>
      %add3A_162 = vector.broadcast %select_n3A_147 : i32 to vector<16xi32>
      %add3A_163 = arith.addi %rem3A_149, %add3A_162 : vector<16xi32>
      %select_n3A_164 = arith.select %and3A_161, %add3A_163, %rem3A_149 : vector<16xi1>, vector<16xi32>
      tpu.vector_store_idx %arg9[%select_n3A, %select_n3A_164], %broadcast_in_dim3A_1 : memref<40x136xf32, #tpu.memory_space<vmem>>[vector<16xi32>, vector<16xi32>], vector<16xf32>,
      %scan3A_165 = arith.constant 0 : i32
      scf.yield %scan3A_165 : i32
    }
    %scan3A_7 = arith.constant 340 : i32
    %mul3A_8 = arith.constant 640 : i32
    %mul3A_9 = arith.muli %arg1, %mul3A_8 : i32
    %add3A_10 = arith.constant 0 : i32
    %add3A_11 = arith.addi %mul3A_9, %add3A_10 : i32
    "tpu.region"() ({
      %run_scoped3A = tpu.sem_alloc : memref<!tpu.dma_semaphore, #tpu.memory_space<semaphore_mem>>
      %dma_start3A_115 = arith.constant 0 : i32
      %dma_start3A_116 = arith.constant 0 : i32
      %dma_start3A_117 = tpu.memref_slice %arg9[%dma_start3A_115, %dma_start3A_116] : memref<40x136xf32, #tpu.memory_space<vmem>> -> memref<40x136xf32, #tpu.memory_space<vmem>>
      %dma_start3A_118 = arith.constant 0 : i32
      %dma_start3A_119 = tpu.memref_slice %arg14[%add3A_11, %dma_start3A_118] : memref<10240x136xf32, #tpu.memory_space<vmem_shared>> -> memref<40x136xf32, #tpu.memory_space<vmem_shared>>
      %dma_start3A_120 = arith.constant 0 : i32
      %dma_start3A_121 = tpu.memref_slice %arg14[%add3A_11, %dma_start3A_120] : memref<10240x136xf32, #tpu.memory_space<vmem_shared>> -> memref<40x136xf32, #tpu.memory_space<vmem_shared>>
      %dma_start3A_122 = arith.constant 0 : i32
      %dma_start3A_123 = arith.constant 0 : i32
      %dma_start3A_124 = tpu.memref_slice %arg9[%dma_start3A_122, %dma_start3A_123] : memref<40x136xf32, #tpu.memory_space<vmem>> -> memref<40x136xf32, #tpu.memory_space<vmem>>
      tpu.enqueue_dma source(%dma_start3A_124 : memref<40x136xf32, #tpu.memory_space<vmem>>) target(%dma_start3A_121 : memref<40x136xf32, #tpu.memory_space<vmem_shared>>) target_semaphore(%run_scoped3A : memref<!tpu.dma_semaphore, #tpu.memory_space<semaphore_mem>>)
      %dma_wait3A_125 = arith.constant 0 : i32
      %dma_wait3A_126 = arith.constant 0 : i32
      %dma_wait3A_127 = tpu.memref_slice %arg9[%dma_wait3A_125, %dma_wait3A_126] : memref<40x136xf32, #tpu.memory_space<vmem>> -> memref<40x136xf32, #tpu.memory_space<vmem>>
      %dma_wait3A_128 = arith.constant 0 : i32
      %dma_wait3A_129 = tpu.memref_slice %arg14[%add3A_11, %dma_wait3A_128] : memref<10240x136xf32, #tpu.memory_space<vmem_shared>> -> memref<40x136xf32, #tpu.memory_space<vmem_shared>>
      %dma_wait3A_130 = arith.constant 0 : i32
      %dma_wait3A_131 = tpu.memref_slice %arg14[%add3A_11, %dma_wait3A_130] : memref<10240x136xf32, #tpu.memory_space<vmem_shared>> -> memref<40x136xf32, #tpu.memory_space<vmem_shared>>
      %dma_wait3A_132 = arith.constant 0 : i32
      %dma_wait3A_133 = arith.constant 0 : i32
      %dma_wait3A_134 = tpu.memref_slice %arg9[%dma_wait3A_132, %dma_wait3A_133] : memref<40x136xf32, #tpu.memory_space<vmem>> -> memref<40x136xf32, #tpu.memory_space<vmem>>
      tpu.wait_dma2 semaphore(%run_scoped3A : memref<!tpu.dma_semaphore, #tpu.memory_space<semaphore_mem>>) src(%dma_wait3A_134 : memref<40x136xf32, #tpu.memory_space<vmem>>) dst(%dma_wait3A_131 : memref<40x136xf32, #tpu.memory_space<vmem_shared>>)
      tpu.yield
    }) : () -> ()
    %mul3A_12 = arith.constant 640 : i32
    %mul3A_13 = arith.muli %arg1, %mul3A_12 : i32
    %add3A_14 = arith.constant 40 : i32
    %add3A_15 = arith.addi %mul3A_13, %add3A_14 : i32
    "tpu.region"() ({
      %run_scoped3A = tpu.sem_alloc : memref<!tpu.dma_semaphore, #tpu.memory_space<semaphore_mem>>
      %dma_start3A_115 = arith.constant 0 : i32
      %dma_start3A_116 = arith.constant 0 : i32
      %dma_start3A_117 = tpu.memref_slice %arg9[%dma_start3A_115, %dma_start3A_116] : memref<40x136xf32, #tpu.memory_space<vmem>> -> memref<40x136xf32, #tpu.memory_space<vmem>>
      %dma_start3A_118 = arith.constant 0 : i32
      %dma_start3A_119 = tpu.memref_slice %arg14[%add3A_15, %dma_start3A_118] : memref<10240x136xf32, #tpu.memory_space<vmem_shared>> -> memref<40x136xf32, #tpu.memory_space<vmem_shared>>
      %dma_start3A_120 = arith.constant 0 : i32
      %dma_start3A_121 = tpu.memref_slice %arg14[%add3A_15, %dma_start3A_120] : memref<10240x136xf32, #tpu.memory_space<vmem_shared>> -> memref<40x136xf32, #tpu.memory_space<vmem_shared>>
      %dma_start3A_122 = arith.constant 0 : i32
      %dma_start3A_123 = arith.constant 0 : i32
      %dma_start3A_124 = tpu.memref_slice %arg9[%dma_start3A_122, %dma_start3A_123] : memref<40x136xf32, #tpu.memory_space<vmem>> -> memref<40x136xf32, #tpu.memory_space<vmem>>
      tpu.enqueue_dma source(%dma_start3A_124 : memref<40x136xf32, #tpu.memory_space<vmem>>) target(%dma_start3A_121 : memref<40x136xf32, #tpu.memory_space<vmem_shared>>) target_semaphore(%run_scoped3A : memref<!tpu.dma_semaphore, #tpu.memory_space<semaphore_mem>>)
      %dma_wait3A_125 = arith.constant 0 : i32
      %dma_wait3A_126 = arith.constant 0 : i32
      %dma_wait3A_127 = tpu.memref_slice %arg9[%dma_wait3A_125, %dma_wait3A_126] : memref<40x136xf32, #tpu.memory_space<vmem>> -> memref<40x136xf32, #tpu.memory_space<vmem>>
      %dma_wait3A_128 = arith.constant 0 : i32
      %dma_wait3A_129 = tpu.memref_slice %arg14[%add3A_15, %dma_wait3A_128] : memref<10240x136xf32, #tpu.memory_space<vmem_shared>> -> memref<40x136xf32, #tpu.memory_space<vmem_shared>>
      %dma_wait3A_130 = arith.constant 0 : i32
      %dma_wait3A_131 = tpu.memref_slice %arg14[%add3A_15, %dma_wait3A_130] : memref<10240x136xf32, #tpu.memory_space<vmem_shared>> -> memref<40x136xf32, #tpu.memory_space<vmem_shared>>
      %dma_wait3A_132 = arith.constant 0 : i32
      %dma_wait3A_133 = arith.constant 0 : i32
      %dma_wait3A_134 = tpu.memref_slice %arg9[%dma_wait3A_132, %dma_wait3A_133] : memref<40x136xf32, #tpu.memory_space<vmem>> -> memref<40x136xf32, #tpu.memory_space<vmem>>
      tpu.wait_dma2 semaphore(%run_scoped3A : memref<!tpu.dma_semaphore, #tpu.memory_space<semaphore_mem>>) src(%dma_wait3A_134 : memref<40x136xf32, #tpu.memory_space<vmem>>) dst(%dma_wait3A_131 : memref<40x136xf32, #tpu.memory_space<vmem_shared>>)
      tpu.yield
    }) : () -> ()
    %mul3A_16 = arith.constant 640 : i32
    %mul3A_17 = arith.muli %arg1, %mul3A_16 : i32
    %add3A_18 = arith.constant 80 : i32
    %add3A_19 = arith.addi %mul3A_17, %add3A_18 : i32
    "tpu.region"() ({
      %run_scoped3A = tpu.sem_alloc : memref<!tpu.dma_semaphore, #tpu.memory_space<semaphore_mem>>
      %dma_start3A_115 = arith.constant 0 : i32
      %dma_start3A_116 = arith.constant 0 : i32
      %dma_start3A_117 = tpu.memref_slice %arg9[%dma_start3A_115, %dma_start3A_116] : memref<40x136xf32, #tpu.memory_space<vmem>> -> memref<40x136xf32, #tpu.memory_space<vmem>>
      %dma_start3A_118 = arith.constant 0 : i32
      %dma_start3A_119 = tpu.memref_slice %arg14[%add3A_19, %dma_start3A_118] : memref<10240x136xf32, #tpu.memory_space<vmem_shared>> -> memref<40x136xf32, #tpu.memory_space<vmem_shared>>
      %dma_start3A_120 = arith.constant 0 : i32
      %dma_start3A_121 = tpu.memref_slice %arg14[%add3A_19, %dma_start3A_120] : memref<10240x136xf32, #tpu.memory_space<vmem_shared>> -> memref<40x136xf32, #tpu.memory_space<vmem_shared>>
      %dma_start3A_122 = arith.constant 0 : i32
      %dma_start3A_123 = arith.constant 0 : i32
      %dma_start3A_124 = tpu.memref_slice %arg9[%dma_start3A_122, %dma_start3A_123] : memref<40x136xf32, #tpu.memory_space<vmem>> -> memref<40x136xf32, #tpu.memory_space<vmem>>
      tpu.enqueue_dma source(%dma_start3A_124 : memref<40x136xf32, #tpu.memory_space<vmem>>) target(%dma_start3A_121 : memref<40x136xf32, #tpu.memory_space<vmem_shared>>) target_semaphore(%run_scoped3A : memref<!tpu.dma_semaphore, #tpu.memory_space<semaphore_mem>>)
      %dma_wait3A_125 = arith.constant 0 : i32
      %dma_wait3A_126 = arith.constant 0 : i32
      %dma_wait3A_127 = tpu.memref_slice %arg9[%dma_wait3A_125, %dma_wait3A_126] : memref<40x136xf32, #tpu.memory_space<vmem>> -> memref<40x136xf32, #tpu.memory_space<vmem>>
      %dma_wait3A_128 = arith.constant 0 : i32
      %dma_wait3A_129 = tpu.memref_slice %arg14[%add3A_19, %dma_wait3A_128] : memref<10240x136xf32, #tpu.memory_space<vmem_shared>> -> memref<40x136xf32, #tpu.memory_space<vmem_shared>>
      %dma_wait3A_130 = arith.constant 0 : i32
      %dma_wait3A_131 = tpu.memref_slice %arg14[%add3A_19, %dma_wait3A_130] : memref<10240x136xf32, #tpu.memory_space<vmem_shared>> -> memref<40x136xf32, #tpu.memory_space<vmem_shared>>
      %dma_wait3A_132 = arith.constant 0 : i32
      %dma_wait3A_133 = arith.constant 0 : i32
      %dma_wait3A_134 = tpu.memref_slice %arg9[%dma_wait3A_132, %dma_wait3A_133] : memref<40x136xf32, #tpu.memory_space<vmem>> -> memref<40x136xf32, #tpu.memory_space<vmem>>
      tpu.wait_dma2 semaphore(%run_scoped3A : memref<!tpu.dma_semaphore, #tpu.memory_space<semaphore_mem>>) src(%dma_wait3A_134 : memref<40x136xf32, #tpu.memory_space<vmem>>) dst(%dma_wait3A_131 : memref<40x136xf32, #tpu.memory_space<vmem_shared>>)
      tpu.yield
    }) : () -> ()
    %mul3A_20 = arith.constant 640 : i32
    %mul3A_21 = arith.muli %arg1, %mul3A_20 : i32
    %add3A_22 = arith.constant 120 : i32
    %add3A_23 = arith.addi %mul3A_21, %add3A_22 : i32
    "tpu.region"() ({
      %run_scoped3A = tpu.sem_alloc : memref<!tpu.dma_semaphore, #tpu.memory_space<semaphore_mem>>
      %dma_start3A_115 = arith.constant 0 : i32
      %dma_start3A_116 = arith.constant 0 : i32
      %dma_start3A_117 = tpu.memref_slice %arg9[%dma_start3A_115, %dma_start3A_116] : memref<40x136xf32, #tpu.memory_space<vmem>> -> memref<40x136xf32, #tpu.memory_space<vmem>>
      %dma_start3A_118 = arith.constant 0 : i32
      %dma_start3A_119 = tpu.memref_slice %arg14[%add3A_23, %dma_start3A_118] : memref<10240x136xf32, #tpu.memory_space<vmem_shared>> -> memref<40x136xf32, #tpu.memory_space<vmem_shared>>
      %dma_start3A_120 = arith.constant 0 : i32
      %dma_start3A_121 = tpu.memref_slice %arg14[%add3A_23, %dma_start3A_120] : memref<10240x136xf32, #tpu.memory_space<vmem_shared>> -> memref<40x136xf32, #tpu.memory_space<vmem_shared>>
      %dma_start3A_122 = arith.constant 0 : i32
      %dma_start3A_123 = arith.constant 0 : i32
      %dma_start3A_124 = tpu.memref_slice %arg9[%dma_start3A_122, %dma_start3A_123] : memref<40x136xf32, #tpu.memory_space<vmem>> -> memref<40x136xf32, #tpu.memory_space<vmem>>
      tpu.enqueue_dma source(%dma_start3A_124 : memref<40x136xf32, #tpu.memory_space<vmem>>) target(%dma_start3A_121 : memref<40x136xf32, #tpu.memory_space<vmem_shared>>) target_semaphore(%run_scoped3A : memref<!tpu.dma_semaphore, #tpu.memory_space<semaphore_mem>>)
      %dma_wait3A_125 = arith.constant 0 : i32
      %dma_wait3A_126 = arith.constant 0 : i32
      %dma_wait3A_127 = tpu.memref_slice %arg9[%dma_wait3A_125, %dma_wait3A_126] : memref<40x136xf32, #tpu.memory_space<vmem>> -> memref<40x136xf32, #tpu.memory_space<vmem>>
      %dma_wait3A_128 = arith.constant 0 : i32
      %dma_wait3A_129 = tpu.memref_slice %arg14[%add3A_23, %dma_wait3A_128] : memref<10240x136xf32, #tpu.memory_space<vmem_shared>> -> memref<40x136xf32, #tpu.memory_space<vmem_shared>>
      %dma_wait3A_130 = arith.constant 0 : i32
      %dma_wait3A_131 = tpu.memref_slice %arg14[%add3A_23, %dma_wait3A_130] : memref<10240x136xf32, #tpu.memory_space<vmem_shared>> -> memref<40x136xf32, #tpu.memory_space<vmem_shared>>
      %dma_wait3A_132 = arith.constant 0 : i32
      %dma_wait3A_133 = arith.constant 0 : i32
      %dma_wait3A_134 = tpu.memref_slice %arg9[%dma_wait3A_132, %dma_wait3A_133] : memref<40x136xf32, #tpu.memory_space<vmem>> -> memref<40x136xf32, #tpu.memory_space<vmem>>
      tpu.wait_dma2 semaphore(%run_scoped3A : memref<!tpu.dma_semaphore, #tpu.memory_space<semaphore_mem>>) src(%dma_wait3A_134 : memref<40x136xf32, #tpu.memory_space<vmem>>) dst(%dma_wait3A_131 : memref<40x136xf32, #tpu.memory_space<vmem_shared>>)
      tpu.yield
    }) : () -> ()
    %mul3A_24 = arith.constant 640 : i32
    %mul3A_25 = arith.muli %arg1, %mul3A_24 : i32
    %add3A_26 = arith.constant 160 : i32
    %add3A_27 = arith.addi %mul3A_25, %add3A_26 : i32
    "tpu.region"() ({
      %run_scoped3A = tpu.sem_alloc : memref<!tpu.dma_semaphore, #tpu.memory_space<semaphore_mem>>
      %dma_start3A_115 = arith.constant 0 : i32
      %dma_start3A_116 = arith.constant 0 : i32
      %dma_start3A_117 = tpu.memref_slice %arg9[%dma_start3A_115, %dma_start3A_116] : memref<40x136xf32, #tpu.memory_space<vmem>> -> memref<40x136xf32, #tpu.memory_space<vmem>>
      %dma_start3A_118 = arith.constant 0 : i32
      %dma_start3A_119 = tpu.memref_slice %arg14[%add3A_27, %dma_start3A_118] : memref<10240x136xf32, #tpu.memory_space<vmem_shared>> -> memref<40x136xf32, #tpu.memory_space<vmem_shared>>
      %dma_start3A_120 = arith.constant 0 : i32
      %dma_start3A_121 = tpu.memref_slice %arg14[%add3A_27, %dma_start3A_120] : memref<10240x136xf32, #tpu.memory_space<vmem_shared>> -> memref<40x136xf32, #tpu.memory_space<vmem_shared>>
      %dma_start3A_122 = arith.constant 0 : i32
      %dma_start3A_123 = arith.constant 0 : i32
      %dma_start3A_124 = tpu.memref_slice %arg9[%dma_start3A_122, %dma_start3A_123] : memref<40x136xf32, #tpu.memory_space<vmem>> -> memref<40x136xf32, #tpu.memory_space<vmem>>
      tpu.enqueue_dma source(%dma_start3A_124 : memref<40x136xf32, #tpu.memory_space<vmem>>) target(%dma_start3A_121 : memref<40x136xf32, #tpu.memory_space<vmem_shared>>) target_semaphore(%run_scoped3A : memref<!tpu.dma_semaphore, #tpu.memory_space<semaphore_mem>>)
      %dma_wait3A_125 = arith.constant 0 : i32
      %dma_wait3A_126 = arith.constant 0 : i32
      %dma_wait3A_127 = tpu.memref_slice %arg9[%dma_wait3A_125, %dma_wait3A_126] : memref<40x136xf32, #tpu.memory_space<vmem>> -> memref<40x136xf32, #tpu.memory_space<vmem>>
      %dma_wait3A_128 = arith.constant 0 : i32
      %dma_wait3A_129 = tpu.memref_slice %arg14[%add3A_27, %dma_wait3A_128] : memref<10240x136xf32, #tpu.memory_space<vmem_shared>> -> memref<40x136xf32, #tpu.memory_space<vmem_shared>>
      %dma_wait3A_130 = arith.constant 0 : i32
      %dma_wait3A_131 = tpu.memref_slice %arg14[%add3A_27, %dma_wait3A_130] : memref<10240x136xf32, #tpu.memory_space<vmem_shared>> -> memref<40x136xf32, #tpu.memory_space<vmem_shared>>
      %dma_wait3A_132 = arith.constant 0 : i32
      %dma_wait3A_133 = arith.constant 0 : i32
      %dma_wait3A_134 = tpu.memref_slice %arg9[%dma_wait3A_132, %dma_wait3A_133] : memref<40x136xf32, #tpu.memory_space<vmem>> -> memref<40x136xf32, #tpu.memory_space<vmem>>
      tpu.wait_dma2 semaphore(%run_scoped3A : memref<!tpu.dma_semaphore, #tpu.memory_space<semaphore_mem>>) src(%dma_wait3A_134 : memref<40x136xf32, #tpu.memory_space<vmem>>) dst(%dma_wait3A_131 : memref<40x136xf32, #tpu.memory_space<vmem_shared>>)
      tpu.yield
    }) : () -> ()
    %mul3A_28 = arith.constant 640 : i32
    %mul3A_29 = arith.muli %arg1, %mul3A_28 : i32
    %add3A_30 = arith.constant 200 : i32
    %add3A_31 = arith.addi %mul3A_29, %add3A_30 : i32
    "tpu.region"() ({
      %run_scoped3A = tpu.sem_alloc : memref<!tpu.dma_semaphore, #tpu.memory_space<semaphore_mem>>
      %dma_start3A_115 = arith.constant 0 : i32
      %dma_start3A_116 = arith.constant 0 : i32
      %dma_start3A_117 = tpu.memref_slice %arg9[%dma_start3A_115, %dma_start3A_116] : memref<40x136xf32, #tpu.memory_space<vmem>> -> memref<40x136xf32, #tpu.memory_space<vmem>>
      %dma_start3A_118 = arith.constant 0 : i32
      %dma_start3A_119 = tpu.memref_slice %arg14[%add3A_31, %dma_start3A_118] : memref<10240x136xf32, #tpu.memory_space<vmem_shared>> -> memref<40x136xf32, #tpu.memory_space<vmem_shared>>
      %dma_start3A_120 = arith.constant 0 : i32
      %dma_start3A_121 = tpu.memref_slice %arg14[%add3A_31, %dma_start3A_120] : memref<10240x136xf32, #tpu.memory_space<vmem_shared>> -> memref<40x136xf32, #tpu.memory_space<vmem_shared>>
      %dma_start3A_122 = arith.constant 0 : i32
      %dma_start3A_123 = arith.constant 0 : i32
      %dma_start3A_124 = tpu.memref_slice %arg9[%dma_start3A_122, %dma_start3A_123] : memref<40x136xf32, #tpu.memory_space<vmem>> -> memref<40x136xf32, #tpu.memory_space<vmem>>
      tpu.enqueue_dma source(%dma_start3A_124 : memref<40x136xf32, #tpu.memory_space<vmem>>) target(%dma_start3A_121 : memref<40x136xf32, #tpu.memory_space<vmem_shared>>) target_semaphore(%run_scoped3A : memref<!tpu.dma_semaphore, #tpu.memory_space<semaphore_mem>>)
      %dma_wait3A_125 = arith.constant 0 : i32
      %dma_wait3A_126 = arith.constant 0 : i32
      %dma_wait3A_127 = tpu.memref_slice %arg9[%dma_wait3A_125, %dma_wait3A_126] : memref<40x136xf32, #tpu.memory_space<vmem>> -> memref<40x136xf32, #tpu.memory_space<vmem>>
      %dma_wait3A_128 = arith.constant 0 : i32
      %dma_wait3A_129 = tpu.memref_slice %arg14[%add3A_31, %dma_wait3A_128] : memref<10240x136xf32, #tpu.memory_space<vmem_shared>> -> memref<40x136xf32, #tpu.memory_space<vmem_shared>>
      %dma_wait3A_130 = arith.constant 0 : i32
      %dma_wait3A_131 = tpu.memref_slice %arg14[%add3A_31, %dma_wait3A_130] : memref<10240x136xf32, #tpu.memory_space<vmem_shared>> -> memref<40x136xf32, #tpu.memory_space<vmem_shared>>
      %dma_wait3A_132 = arith.constant 0 : i32
      %dma_wait3A_133 = arith.constant 0 : i32
      %dma_wait3A_134 = tpu.memref_slice %arg9[%dma_wait3A_132, %dma_wait3A_133] : memref<40x136xf32, #tpu.memory_space<vmem>> -> memref<40x136xf32, #tpu.memory_space<vmem>>
      tpu.wait_dma2 semaphore(%run_scoped3A : memref<!tpu.dma_semaphore, #tpu.memory_space<semaphore_mem>>) src(%dma_wait3A_134 : memref<40x136xf32, #tpu.memory_space<vmem>>) dst(%dma_wait3A_131 : memref<40x136xf32, #tpu.memory_space<vmem_shared>>)
      tpu.yield
    }) : () -> ()
    %mul3A_32 = arith.constant 640 : i32
    %mul3A_33 = arith.muli %arg1, %mul3A_32 : i32
    %add3A_34 = arith.constant 240 : i32
    %add3A_35 = arith.addi %mul3A_33, %add3A_34 : i32
    "tpu.region"() ({
      %run_scoped3A = tpu.sem_alloc : memref<!tpu.dma_semaphore, #tpu.memory_space<semaphore_mem>>
      %dma_start3A_115 = arith.constant 0 : i32
      %dma_start3A_116 = arith.constant 0 : i32
      %dma_start3A_117 = tpu.memref_slice %arg9[%dma_start3A_115, %dma_start3A_116] : memref<40x136xf32, #tpu.memory_space<vmem>> -> memref<40x136xf32, #tpu.memory_space<vmem>>
      %dma_start3A_118 = arith.constant 0 : i32
      %dma_start3A_119 = tpu.memref_slice %arg14[%add3A_35, %dma_start3A_118] : memref<10240x136xf32, #tpu.memory_space<vmem_shared>> -> memref<40x136xf32, #tpu.memory_space<vmem_shared>>
      %dma_start3A_120 = arith.constant 0 : i32
      %dma_start3A_121 = tpu.memref_slice %arg14[%add3A_35, %dma_start3A_120] : memref<10240x136xf32, #tpu.memory_space<vmem_shared>> -> memref<40x136xf32, #tpu.memory_space<vmem_shared>>
      %dma_start3A_122 = arith.constant 0 : i32
      %dma_start3A_123 = arith.constant 0 : i32
      %dma_start3A_124 = tpu.memref_slice %arg9[%dma_start3A_122, %dma_start3A_123] : memref<40x136xf32, #tpu.memory_space<vmem>> -> memref<40x136xf32, #tpu.memory_space<vmem>>
      tpu.enqueue_dma source(%dma_start3A_124 : memref<40x136xf32, #tpu.memory_space<vmem>>) target(%dma_start3A_121 : memref<40x136xf32, #tpu.memory_space<vmem_shared>>) target_semaphore(%run_scoped3A : memref<!tpu.dma_semaphore, #tpu.memory_space<semaphore_mem>>)
      %dma_wait3A_125 = arith.constant 0 : i32
      %dma_wait3A_126 = arith.constant 0 : i32
      %dma_wait3A_127 = tpu.memref_slice %arg9[%dma_wait3A_125, %dma_wait3A_126] : memref<40x136xf32, #tpu.memory_space<vmem>> -> memref<40x136xf32, #tpu.memory_space<vmem>>
      %dma_wait3A_128 = arith.constant 0 : i32
      %dma_wait3A_129 = tpu.memref_slice %arg14[%add3A_35, %dma_wait3A_128] : memref<10240x136xf32, #tpu.memory_space<vmem_shared>> -> memref<40x136xf32, #tpu.memory_space<vmem_shared>>
      %dma_wait3A_130 = arith.constant 0 : i32
      %dma_wait3A_131 = tpu.memref_slice %arg14[%add3A_35, %dma_wait3A_130] : memref<10240x136xf32, #tpu.memory_space<vmem_shared>> -> memref<40x136xf32, #tpu.memory_space<vmem_shared>>
      %dma_wait3A_132 = arith.constant 0 : i32
      %dma_wait3A_133 = arith.constant 0 : i32
      %dma_wait3A_134 = tpu.memref_slice %arg9[%dma_wait3A_132, %dma_wait3A_133] : memref<40x136xf32, #tpu.memory_space<vmem>> -> memref<40x136xf32, #tpu.memory_space<vmem>>
      tpu.wait_dma2 semaphore(%run_scoped3A : memref<!tpu.dma_semaphore, #tpu.memory_space<semaphore_mem>>) src(%dma_wait3A_134 : memref<40x136xf32, #tpu.memory_space<vmem>>) dst(%dma_wait3A_131 : memref<40x136xf32, #tpu.memory_space<vmem_shared>>)
      tpu.yield
    }) : () -> ()
    %mul3A_36 = arith.constant 640 : i32
    %mul3A_37 = arith.muli %arg1, %mul3A_36 : i32
    %add3A_38 = arith.constant 280 : i32
    %add3A_39 = arith.addi %mul3A_37, %add3A_38 : i32
    "tpu.region"() ({
      %run_scoped3A = tpu.sem_alloc : memref<!tpu.dma_semaphore, #tpu.memory_space<semaphore_mem>>
      %dma_start3A_115 = arith.constant 0 : i32
      %dma_start3A_116 = arith.constant 0 : i32
      %dma_start3A_117 = tpu.memref_slice %arg9[%dma_start3A_115, %dma_start3A_116] : memref<40x136xf32, #tpu.memory_space<vmem>> -> memref<40x136xf32, #tpu.memory_space<vmem>>
      %dma_start3A_118 = arith.constant 0 : i32
      %dma_start3A_119 = tpu.memref_slice %arg14[%add3A_39, %dma_start3A_118] : memref<10240x136xf32, #tpu.memory_space<vmem_shared>> -> memref<40x136xf32, #tpu.memory_space<vmem_shared>>
      %dma_start3A_120 = arith.constant 0 : i32
      %dma_start3A_121 = tpu.memref_slice %arg14[%add3A_39, %dma_start3A_120] : memref<10240x136xf32, #tpu.memory_space<vmem_shared>> -> memref<40x136xf32, #tpu.memory_space<vmem_shared>>
      %dma_start3A_122 = arith.constant 0 : i32
      %dma_start3A_123 = arith.constant 0 : i32
      %dma_start3A_124 = tpu.memref_slice %arg9[%dma_start3A_122, %dma_start3A_123] : memref<40x136xf32, #tpu.memory_space<vmem>> -> memref<40x136xf32, #tpu.memory_space<vmem>>
      tpu.enqueue_dma source(%dma_start3A_124 : memref<40x136xf32, #tpu.memory_space<vmem>>) target(%dma_start3A_121 : memref<40x136xf32, #tpu.memory_space<vmem_shared>>) target_semaphore(%run_scoped3A : memref<!tpu.dma_semaphore, #tpu.memory_space<semaphore_mem>>)
      %dma_wait3A_125 = arith.constant 0 : i32
      %dma_wait3A_126 = arith.constant 0 : i32
      %dma_wait3A_127 = tpu.memref_slice %arg9[%dma_wait3A_125, %dma_wait3A_126] : memref<40x136xf32, #tpu.memory_space<vmem>> -> memref<40x136xf32, #tpu.memory_space<vmem>>
      %dma_wait3A_128 = arith.constant 0 : i32
      %dma_wait3A_129 = tpu.memref_slice %arg14[%add3A_39, %dma_wait3A_128] : memref<10240x136xf32, #tpu.memory_space<vmem_shared>> -> memref<40x136xf32, #tpu.memory_space<vmem_shared>>
      %dma_wait3A_130 = arith.constant 0 : i32
      %dma_wait3A_131 = tpu.memref_slice %arg14[%add3A_39, %dma_wait3A_130] : memref<10240x136xf32, #tpu.memory_space<vmem_shared>> -> memref<40x136xf32, #tpu.memory_space<vmem_shared>>
      %dma_wait3A_132 = arith.constant 0 : i32
      %dma_wait3A_133 = arith.constant 0 : i32
      %dma_wait3A_134 = tpu.memref_slice %arg9[%dma_wait3A_132, %dma_wait3A_133] : memref<40x136xf32, #tpu.memory_space<vmem>> -> memref<40x136xf32, #tpu.memory_space<vmem>>
      tpu.wait_dma2 semaphore(%run_scoped3A : memref<!tpu.dma_semaphore, #tpu.memory_space<semaphore_mem>>) src(%dma_wait3A_134 : memref<40x136xf32, #tpu.memory_space<vmem>>) dst(%dma_wait3A_131 : memref<40x136xf32, #tpu.memory_space<vmem_shared>>)
      tpu.yield
    }) : () -> ()
    %mul3A_40 = arith.constant 640 : i32
    %mul3A_41 = arith.muli %arg1, %mul3A_40 : i32
    %add3A_42 = arith.constant 320 : i32
    %add3A_43 = arith.addi %mul3A_41, %add3A_42 : i32
    "tpu.region"() ({
      %run_scoped3A = tpu.sem_alloc : memref<!tpu.dma_semaphore, #tpu.memory_space<semaphore_mem>>
      %dma_start3A_115 = arith.constant 0 : i32
      %dma_start3A_116 = arith.constant 0 : i32
      %dma_start3A_117 = tpu.memref_slice %arg9[%dma_start3A_115, %dma_start3A_116] : memref<40x136xf32, #tpu.memory_space<vmem>> -> memref<40x136xf32, #tpu.memory_space<vmem>>
      %dma_start3A_118 = arith.constant 0 : i32
      %dma_start3A_119 = tpu.memref_slice %arg14[%add3A_43, %dma_start3A_118] : memref<10240x136xf32, #tpu.memory_space<vmem_shared>> -> memref<40x136xf32, #tpu.memory_space<vmem_shared>>
      %dma_start3A_120 = arith.constant 0 : i32
      %dma_start3A_121 = tpu.memref_slice %arg14[%add3A_43, %dma_start3A_120] : memref<10240x136xf32, #tpu.memory_space<vmem_shared>> -> memref<40x136xf32, #tpu.memory_space<vmem_shared>>
      %dma_start3A_122 = arith.constant 0 : i32
      %dma_start3A_123 = arith.constant 0 : i32
      %dma_start3A_124 = tpu.memref_slice %arg9[%dma_start3A_122, %dma_start3A_123] : memref<40x136xf32, #tpu.memory_space<vmem>> -> memref<40x136xf32, #tpu.memory_space<vmem>>
      tpu.enqueue_dma source(%dma_start3A_124 : memref<40x136xf32, #tpu.memory_space<vmem>>) target(%dma_start3A_121 : memref<40x136xf32, #tpu.memory_space<vmem_shared>>) target_semaphore(%run_scoped3A : memref<!tpu.dma_semaphore, #tpu.memory_space<semaphore_mem>>)
      %dma_wait3A_125 = arith.constant 0 : i32
      %dma_wait3A_126 = arith.constant 0 : i32
      %dma_wait3A_127 = tpu.memref_slice %arg9[%dma_wait3A_125, %dma_wait3A_126] : memref<40x136xf32, #tpu.memory_space<vmem>> -> memref<40x136xf32, #tpu.memory_space<vmem>>
      %dma_wait3A_128 = arith.constant 0 : i32
      %dma_wait3A_129 = tpu.memref_slice %arg14[%add3A_43, %dma_wait3A_128] : memref<10240x136xf32, #tpu.memory_space<vmem_shared>> -> memref<40x136xf32, #tpu.memory_space<vmem_shared>>
      %dma_wait3A_130 = arith.constant 0 : i32
      %dma_wait3A_131 = tpu.memref_slice %arg14[%add3A_43, %dma_wait3A_130] : memref<10240x136xf32, #tpu.memory_space<vmem_shared>> -> memref<40x136xf32, #tpu.memory_space<vmem_shared>>
      %dma_wait3A_132 = arith.constant 0 : i32
      %dma_wait3A_133 = arith.constant 0 : i32
      %dma_wait3A_134 = tpu.memref_slice %arg9[%dma_wait3A_132, %dma_wait3A_133] : memref<40x136xf32, #tpu.memory_space<vmem>> -> memref<40x136xf32, #tpu.memory_space<vmem>>
      tpu.wait_dma2 semaphore(%run_scoped3A : memref<!tpu.dma_semaphore, #tpu.memory_space<semaphore_mem>>) src(%dma_wait3A_134 : memref<40x136xf32, #tpu.memory_space<vmem>>) dst(%dma_wait3A_131 : memref<40x136xf32, #tpu.memory_space<vmem_shared>>)
      tpu.yield
    }) : () -> ()
    %mul3A_44 = arith.constant 640 : i32
    %mul3A_45 = arith.muli %arg1, %mul3A_44 : i32
    %add3A_46 = arith.constant 360 : i32
    %add3A_47 = arith.addi %mul3A_45, %add3A_46 : i32
    "tpu.region"() ({
      %run_scoped3A = tpu.sem_alloc : memref<!tpu.dma_semaphore, #tpu.memory_space<semaphore_mem>>
      %dma_start3A_115 = arith.constant 0 : i32
      %dma_start3A_116 = arith.constant 0 : i32
      %dma_start3A_117 = tpu.memref_slice %arg9[%dma_start3A_115, %dma_start3A_116] : memref<40x136xf32, #tpu.memory_space<vmem>> -> memref<40x136xf32, #tpu.memory_space<vmem>>
      %dma_start3A_118 = arith.constant 0 : i32
      %dma_start3A_119 = tpu.memref_slice %arg14[%add3A_47, %dma_start3A_118] : memref<10240x136xf32, #tpu.memory_space<vmem_shared>> -> memref<40x136xf32, #tpu.memory_space<vmem_shared>>
      %dma_start3A_120 = arith.constant 0 : i32
      %dma_start3A_121 = tpu.memref_slice %arg14[%add3A_47, %dma_start3A_120] : memref<10240x136xf32, #tpu.memory_space<vmem_shared>> -> memref<40x136xf32, #tpu.memory_space<vmem_shared>>
      %dma_start3A_122 = arith.constant 0 : i32
      %dma_start3A_123 = arith.constant 0 : i32
      %dma_start3A_124 = tpu.memref_slice %arg9[%dma_start3A_122, %dma_start3A_123] : memref<40x136xf32, #tpu.memory_space<vmem>> -> memref<40x136xf32, #tpu.memory_space<vmem>>
      tpu.enqueue_dma source(%dma_start3A_124 : memref<40x136xf32, #tpu.memory_space<vmem>>) target(%dma_start3A_121 : memref<40x136xf32, #tpu.memory_space<vmem_shared>>) target_semaphore(%run_scoped3A : memref<!tpu.dma_semaphore, #tpu.memory_space<semaphore_mem>>)
      %dma_wait3A_125 = arith.constant 0 : i32
      %dma_wait3A_126 = arith.constant 0 : i32
      %dma_wait3A_127 = tpu.memref_slice %arg9[%dma_wait3A_125, %dma_wait3A_126] : memref<40x136xf32, #tpu.memory_space<vmem>> -> memref<40x136xf32, #tpu.memory_space<vmem>>
      %dma_wait3A_128 = arith.constant 0 : i32
      %dma_wait3A_129 = tpu.memref_slice %arg14[%add3A_47, %dma_wait3A_128] : memref<10240x136xf32, #tpu.memory_space<vmem_shared>> -> memref<40x136xf32, #tpu.memory_space<vmem_shared>>
      %dma_wait3A_130 = arith.constant 0 : i32
      %dma_wait3A_131 = tpu.memref_slice %arg14[%add3A_47, %dma_wait3A_130] : memref<10240x136xf32, #tpu.memory_space<vmem_shared>> -> memref<40x136xf32, #tpu.memory_space<vmem_shared>>
      %dma_wait3A_132 = arith.constant 0 : i32
      %dma_wait3A_133 = arith.constant 0 : i32
      %dma_wait3A_134 = tpu.memref_slice %arg9[%dma_wait3A_132, %dma_wait3A_133] : memref<40x136xf32, #tpu.memory_space<vmem>> -> memref<40x136xf32, #tpu.memory_space<vmem>>
      tpu.wait_dma2 semaphore(%run_scoped3A : memref<!tpu.dma_semaphore, #tpu.memory_space<semaphore_mem>>) src(%dma_wait3A_134 : memref<40x136xf32, #tpu.memory_space<vmem>>) dst(%dma_wait3A_131 : memref<40x136xf32, #tpu.memory_space<vmem_shared>>)
      tpu.yield
    }) : () -> ()
    %mul3A_48 = arith.constant 640 : i32
    %mul3A_49 = arith.muli %arg1, %mul3A_48 : i32
    %add3A_50 = arith.constant 400 : i32
    %add3A_51 = arith.addi %mul3A_49, %add3A_50 : i32
    "tpu.region"() ({
      %run_scoped3A = tpu.sem_alloc : memref<!tpu.dma_semaphore, #tpu.memory_space<semaphore_mem>>
      %dma_start3A_115 = arith.constant 0 : i32
      %dma_start3A_116 = arith.constant 0 : i32
      %dma_start3A_117 = tpu.memref_slice %arg9[%dma_start3A_115, %dma_start3A_116] : memref<40x136xf32, #tpu.memory_space<vmem>> -> memref<40x136xf32, #tpu.memory_space<vmem>>
      %dma_start3A_118 = arith.constant 0 : i32
      %dma_start3A_119 = tpu.memref_slice %arg14[%add3A_51, %dma_start3A_118] : memref<10240x136xf32, #tpu.memory_space<vmem_shared>> -> memref<40x136xf32, #tpu.memory_space<vmem_shared>>
      %dma_start3A_120 = arith.constant 0 : i32
      %dma_start3A_121 = tpu.memref_slice %arg14[%add3A_51, %dma_start3A_120] : memref<10240x136xf32, #tpu.memory_space<vmem_shared>> -> memref<40x136xf32, #tpu.memory_space<vmem_shared>>
      %dma_start3A_122 = arith.constant 0 : i32
      %dma_start3A_123 = arith.constant 0 : i32
      %dma_start3A_124 = tpu.memref_slice %arg9[%dma_start3A_122, %dma_start3A_123] : memref<40x136xf32, #tpu.memory_space<vmem>> -> memref<40x136xf32, #tpu.memory_space<vmem>>
      tpu.enqueue_dma source(%dma_start3A_124 : memref<40x136xf32, #tpu.memory_space<vmem>>) target(%dma_start3A_121 : memref<40x136xf32, #tpu.memory_space<vmem_shared>>) target_semaphore(%run_scoped3A : memref<!tpu.dma_semaphore, #tpu.memory_space<semaphore_mem>>)
      %dma_wait3A_125 = arith.constant 0 : i32
      %dma_wait3A_126 = arith.constant 0 : i32
      %dma_wait3A_127 = tpu.memref_slice %arg9[%dma_wait3A_125, %dma_wait3A_126] : memref<40x136xf32, #tpu.memory_space<vmem>> -> memref<40x136xf32, #tpu.memory_space<vmem>>
      %dma_wait3A_128 = arith.constant 0 : i32
      %dma_wait3A_129 = tpu.memref_slice %arg14[%add3A_51, %dma_wait3A_128] : memref<10240x136xf32, #tpu.memory_space<vmem_shared>> -> memref<40x136xf32, #tpu.memory_space<vmem_shared>>
      %dma_wait3A_130 = arith.constant 0 : i32
      %dma_wait3A_131 = tpu.memref_slice %arg14[%add3A_51, %dma_wait3A_130] : memref<10240x136xf32, #tpu.memory_space<vmem_shared>> -> memref<40x136xf32, #tpu.memory_space<vmem_shared>>
      %dma_wait3A_132 = arith.constant 0 : i32
      %dma_wait3A_133 = arith.constant 0 : i32
      %dma_wait3A_134 = tpu.memref_slice %arg9[%dma_wait3A_132, %dma_wait3A_133] : memref<40x136xf32, #tpu.memory_space<vmem>> -> memref<40x136xf32, #tpu.memory_space<vmem>>
      tpu.wait_dma2 semaphore(%run_scoped3A : memref<!tpu.dma_semaphore, #tpu.memory_space<semaphore_mem>>) src(%dma_wait3A_134 : memref<40x136xf32, #tpu.memory_space<vmem>>) dst(%dma_wait3A_131 : memref<40x136xf32, #tpu.memory_space<vmem_shared>>)
      tpu.yield
    }) : () -> ()
    %mul3A_52 = arith.constant 640 : i32
    %mul3A_53 = arith.muli %arg1, %mul3A_52 : i32
    %add3A_54 = arith.constant 440 : i32
    %add3A_55 = arith.addi %mul3A_53, %add3A_54 : i32
    "tpu.region"() ({
      %run_scoped3A = tpu.sem_alloc : memref<!tpu.dma_semaphore, #tpu.memory_space<semaphore_mem>>
      %dma_start3A_115 = arith.constant 0 : i32
      %dma_start3A_116 = arith.constant 0 : i32
      %dma_start3A_117 = tpu.memref_slice %arg9[%dma_start3A_115, %dma_start3A_116] : memref<40x136xf32, #tpu.memory_space<vmem>> -> memref<40x136xf32, #tpu.memory_space<vmem>>
      %dma_start3A_118 = arith.constant 0 : i32
      %dma_start3A_119 = tpu.memref_slice %arg14[%add3A_55, %dma_start3A_118] : memref<10240x136xf32, #tpu.memory_space<vmem_shared>> -> memref<40x136xf32, #tpu.memory_space<vmem_shared>>
      %dma_start3A_120 = arith.constant 0 : i32
      %dma_start3A_121 = tpu.memref_slice %arg14[%add3A_55, %dma_start3A_120] : memref<10240x136xf32, #tpu.memory_space<vmem_shared>> -> memref<40x136xf32, #tpu.memory_space<vmem_shared>>
      %dma_start3A_122 = arith.constant 0 : i32
      %dma_start3A_123 = arith.constant 0 : i32
      %dma_start3A_124 = tpu.memref_slice %arg9[%dma_start3A_122, %dma_start3A_123] : memref<40x136xf32, #tpu.memory_space<vmem>> -> memref<40x136xf32, #tpu.memory_space<vmem>>
      tpu.enqueue_dma source(%dma_start3A_124 : memref<40x136xf32, #tpu.memory_space<vmem>>) target(%dma_start3A_121 : memref<40x136xf32, #tpu.memory_space<vmem_shared>>) target_semaphore(%run_scoped3A : memref<!tpu.dma_semaphore, #tpu.memory_space<semaphore_mem>>)
      %dma_wait3A_125 = arith.constant 0 : i32
      %dma_wait3A_126 = arith.constant 0 : i32
      %dma_wait3A_127 = tpu.memref_slice %arg9[%dma_wait3A_125, %dma_wait3A_126] : memref<40x136xf32, #tpu.memory_space<vmem>> -> memref<40x136xf32, #tpu.memory_space<vmem>>
      %dma_wait3A_128 = arith.constant 0 : i32
      %dma_wait3A_129 = tpu.memref_slice %arg14[%add3A_55, %dma_wait3A_128] : memref<10240x136xf32, #tpu.memory_space<vmem_shared>> -> memref<40x136xf32, #tpu.memory_space<vmem_shared>>
      %dma_wait3A_130 = arith.constant 0 : i32
      %dma_wait3A_131 = tpu.memref_slice %arg14[%add3A_55, %dma_wait3A_130] : memref<10240x136xf32, #tpu.memory_space<vmem_shared>> -> memref<40x136xf32, #tpu.memory_space<vmem_shared>>
      %dma_wait3A_132 = arith.constant 0 : i32
      %dma_wait3A_133 = arith.constant 0 : i32
      %dma_wait3A_134 = tpu.memref_slice %arg9[%dma_wait3A_132, %dma_wait3A_133] : memref<40x136xf32, #tpu.memory_space<vmem>> -> memref<40x136xf32, #tpu.memory_space<vmem>>
      tpu.wait_dma2 semaphore(%run_scoped3A : memref<!tpu.dma_semaphore, #tpu.memory_space<semaphore_mem>>) src(%dma_wait3A_134 : memref<40x136xf32, #tpu.memory_space<vmem>>) dst(%dma_wait3A_131 : memref<40x136xf32, #tpu.memory_space<vmem_shared>>)
      tpu.yield
    }) : () -> ()
    %mul3A_56 = arith.constant 640 : i32
    %mul3A_57 = arith.muli %arg1, %mul3A_56 : i32
    %add3A_58 = arith.constant 480 : i32
    %add3A_59 = arith.addi %mul3A_57, %add3A_58 : i32
    "tpu.region"() ({
      %run_scoped3A = tpu.sem_alloc : memref<!tpu.dma_semaphore, #tpu.memory_space<semaphore_mem>>
      %dma_start3A_115 = arith.constant 0 : i32
      %dma_start3A_116 = arith.constant 0 : i32
      %dma_start3A_117 = tpu.memref_slice %arg9[%dma_start3A_115, %dma_start3A_116] : memref<40x136xf32, #tpu.memory_space<vmem>> -> memref<40x136xf32, #tpu.memory_space<vmem>>
      %dma_start3A_118 = arith.constant 0 : i32
      %dma_start3A_119 = tpu.memref_slice %arg14[%add3A_59, %dma_start3A_118] : memref<10240x136xf32, #tpu.memory_space<vmem_shared>> -> memref<40x136xf32, #tpu.memory_space<vmem_shared>>
      %dma_start3A_120 = arith.constant 0 : i32
      %dma_start3A_121 = tpu.memref_slice %arg14[%add3A_59, %dma_start3A_120] : memref<10240x136xf32, #tpu.memory_space<vmem_shared>> -> memref<40x136xf32, #tpu.memory_space<vmem_shared>>
      %dma_start3A_122 = arith.constant 0 : i32
      %dma_start3A_123 = arith.constant 0 : i32
      %dma_start3A_124 = tpu.memref_slice %arg9[%dma_start3A_122, %dma_start3A_123] : memref<40x136xf32, #tpu.memory_space<vmem>> -> memref<40x136xf32, #tpu.memory_space<vmem>>
      tpu.enqueue_dma source(%dma_start3A_124 : memref<40x136xf32, #tpu.memory_space<vmem>>) target(%dma_start3A_121 : memref<40x136xf32, #tpu.memory_space<vmem_shared>>) target_semaphore(%run_scoped3A : memref<!tpu.dma_semaphore, #tpu.memory_space<semaphore_mem>>)
      %dma_wait3A_125 = arith.constant 0 : i32
      %dma_wait3A_126 = arith.constant 0 : i32
      %dma_wait3A_127 = tpu.memref_slice %arg9[%dma_wait3A_125, %dma_wait3A_126] : memref<40x136xf32, #tpu.memory_space<vmem>> -> memref<40x136xf32, #tpu.memory_space<vmem>>
      %dma_wait3A_128 = arith.constant 0 : i32
      %dma_wait3A_129 = tpu.memref_slice %arg14[%add3A_59, %dma_wait3A_128] : memref<10240x136xf32, #tpu.memory_space<vmem_shared>> -> memref<40x136xf32, #tpu.memory_space<vmem_shared>>
      %dma_wait3A_130 = arith.constant 0 : i32
      %dma_wait3A_131 = tpu.memref_slice %arg14[%add3A_59, %dma_wait3A_130] : memref<10240x136xf32, #tpu.memory_space<vmem_shared>> -> memref<40x136xf32, #tpu.memory_space<vmem_shared>>
      %dma_wait3A_132 = arith.constant 0 : i32
      %dma_wait3A_133 = arith.constant 0 : i32
      %dma_wait3A_134 = tpu.memref_slice %arg9[%dma_wait3A_132, %dma_wait3A_133] : memref<40x136xf32, #tpu.memory_space<vmem>> -> memref<40x136xf32, #tpu.memory_space<vmem>>
      tpu.wait_dma2 semaphore(%run_scoped3A : memref<!tpu.dma_semaphore, #tpu.memory_space<semaphore_mem>>) src(%dma_wait3A_134 : memref<40x136xf32, #tpu.memory_space<vmem>>) dst(%dma_wait3A_131 : memref<40x136xf32, #tpu.memory_space<vmem_shared>>)
      tpu.yield
    }) : () -> ()
    %mul3A_60 = arith.constant 640 : i32
    %mul3A_61 = arith.muli %arg1, %mul3A_60 : i32
    %add3A_62 = arith.constant 520 : i32
    %add3A_63 = arith.addi %mul3A_61, %add3A_62 : i32
    "tpu.region"() ({
      %run_scoped3A = tpu.sem_alloc : memref<!tpu.dma_semaphore, #tpu.memory_space<semaphore_mem>>
      %dma_start3A_115 = arith.constant 0 : i32
      %dma_start3A_116 = arith.constant 0 : i32
      %dma_start3A_117 = tpu.memref_slice %arg9[%dma_start3A_115, %dma_start3A_116] : memref<40x136xf32, #tpu.memory_space<vmem>> -> memref<40x136xf32, #tpu.memory_space<vmem>>
      %dma_start3A_118 = arith.constant 0 : i32
      %dma_start3A_119 = tpu.memref_slice %arg14[%add3A_63, %dma_start3A_118] : memref<10240x136xf32, #tpu.memory_space<vmem_shared>> -> memref<40x136xf32, #tpu.memory_space<vmem_shared>>
      %dma_start3A_120 = arith.constant 0 : i32
      %dma_start3A_121 = tpu.memref_slice %arg14[%add3A_63, %dma_start3A_120] : memref<10240x136xf32, #tpu.memory_space<vmem_shared>> -> memref<40x136xf32, #tpu.memory_space<vmem_shared>>
      %dma_start3A_122 = arith.constant 0 : i32
      %dma_start3A_123 = arith.constant 0 : i32
      %dma_start3A_124 = tpu.memref_slice %arg9[%dma_start3A_122, %dma_start3A_123] : memref<40x136xf32, #tpu.memory_space<vmem>> -> memref<40x136xf32, #tpu.memory_space<vmem>>
      tpu.enqueue_dma source(%dma_start3A_124 : memref<40x136xf32, #tpu.memory_space<vmem>>) target(%dma_start3A_121 : memref<40x136xf32, #tpu.memory_space<vmem_shared>>) target_semaphore(%run_scoped3A : memref<!tpu.dma_semaphore, #tpu.memory_space<semaphore_mem>>)
      %dma_wait3A_125 = arith.constant 0 : i32
      %dma_wait3A_126 = arith.constant 0 : i32
      %dma_wait3A_127 = tpu.memref_slice %arg9[%dma_wait3A_125, %dma_wait3A_126] : memref<40x136xf32, #tpu.memory_space<vmem>> -> memref<40x136xf32, #tpu.memory_space<vmem>>
      %dma_wait3A_128 = arith.constant 0 : i32
      %dma_wait3A_129 = tpu.memref_slice %arg14[%add3A_63, %dma_wait3A_128] : memref<10240x136xf32, #tpu.memory_space<vmem_shared>> -> memref<40x136xf32, #tpu.memory_space<vmem_shared>>
      %dma_wait3A_130 = arith.constant 0 : i32
      %dma_wait3A_131 = tpu.memref_slice %arg14[%add3A_63, %dma_wait3A_130] : memref<10240x136xf32, #tpu.memory_space<vmem_shared>> -> memref<40x136xf32, #tpu.memory_space<vmem_shared>>
      %dma_wait3A_132 = arith.constant 0 : i32
      %dma_wait3A_133 = arith.constant 0 : i32
      %dma_wait3A_134 = tpu.memref_slice %arg9[%dma_wait3A_132, %dma_wait3A_133] : memref<40x136xf32, #tpu.memory_space<vmem>> -> memref<40x136xf32, #tpu.memory_space<vmem>>
      tpu.wait_dma2 semaphore(%run_scoped3A : memref<!tpu.dma_semaphore, #tpu.memory_space<semaphore_mem>>) src(%dma_wait3A_134 : memref<40x136xf32, #tpu.memory_space<vmem>>) dst(%dma_wait3A_131 : memref<40x136xf32, #tpu.memory_space<vmem_shared>>)
      tpu.yield
    }) : () -> ()
    %mul3A_64 = arith.constant 640 : i32
    %mul3A_65 = arith.muli %arg1, %mul3A_64 : i32
    %add3A_66 = arith.constant 560 : i32
    %add3A_67 = arith.addi %mul3A_65, %add3A_66 : i32
    "tpu.region"() ({
      %run_scoped3A = tpu.sem_alloc : memref<!tpu.dma_semaphore, #tpu.memory_space<semaphore_mem>>
      %dma_start3A_115 = arith.constant 0 : i32
      %dma_start3A_116 = arith.constant 0 : i32
      %dma_start3A_117 = tpu.memref_slice %arg9[%dma_start3A_115, %dma_start3A_116] : memref<40x136xf32, #tpu.memory_space<vmem>> -> memref<40x136xf32, #tpu.memory_space<vmem>>
      %dma_start3A_118 = arith.constant 0 : i32
      %dma_start3A_119 = tpu.memref_slice %arg14[%add3A_67, %dma_start3A_118] : memref<10240x136xf32, #tpu.memory_space<vmem_shared>> -> memref<40x136xf32, #tpu.memory_space<vmem_shared>>
      %dma_start3A_120 = arith.constant 0 : i32
      %dma_start3A_121 = tpu.memref_slice %arg14[%add3A_67, %dma_start3A_120] : memref<10240x136xf32, #tpu.memory_space<vmem_shared>> -> memref<40x136xf32, #tpu.memory_space<vmem_shared>>
      %dma_start3A_122 = arith.constant 0 : i32
      %dma_start3A_123 = arith.constant 0 : i32
      %dma_start3A_124 = tpu.memref_slice %arg9[%dma_start3A_122, %dma_start3A_123] : memref<40x136xf32, #tpu.memory_space<vmem>> -> memref<40x136xf32, #tpu.memory_space<vmem>>
      tpu.enqueue_dma source(%dma_start3A_124 : memref<40x136xf32, #tpu.memory_space<vmem>>) target(%dma_start3A_121 : memref<40x136xf32, #tpu.memory_space<vmem_shared>>) target_semaphore(%run_scoped3A : memref<!tpu.dma_semaphore, #tpu.memory_space<semaphore_mem>>)
      %dma_wait3A_125 = arith.constant 0 : i32
      %dma_wait3A_126 = arith.constant 0 : i32
      %dma_wait3A_127 = tpu.memref_slice %arg9[%dma_wait3A_125, %dma_wait3A_126] : memref<40x136xf32, #tpu.memory_space<vmem>> -> memref<40x136xf32, #tpu.memory_space<vmem>>
      %dma_wait3A_128 = arith.constant 0 : i32
      %dma_wait3A_129 = tpu.memref_slice %arg14[%add3A_67, %dma_wait3A_128] : memref<10240x136xf32, #tpu.memory_space<vmem_shared>> -> memref<40x136xf32, #tpu.memory_space<vmem_shared>>
      %dma_wait3A_130 = arith.constant 0 : i32
      %dma_wait3A_131 = tpu.memref_slice %arg14[%add3A_67, %dma_wait3A_130] : memref<10240x136xf32, #tpu.memory_space<vmem_shared>> -> memref<40x136xf32, #tpu.memory_space<vmem_shared>>
      %dma_wait3A_132 = arith.constant 0 : i32
      %dma_wait3A_133 = arith.constant 0 : i32
      %dma_wait3A_134 = tpu.memref_slice %arg9[%dma_wait3A_132, %dma_wait3A_133] : memref<40x136xf32, #tpu.memory_space<vmem>> -> memref<40x136xf32, #tpu.memory_space<vmem>>
      tpu.wait_dma2 semaphore(%run_scoped3A : memref<!tpu.dma_semaphore, #tpu.memory_space<semaphore_mem>>) src(%dma_wait3A_134 : memref<40x136xf32, #tpu.memory_space<vmem>>) dst(%dma_wait3A_131 : memref<40x136xf32, #tpu.memory_space<vmem_shared>>)
      tpu.yield
    }) : () -> ()
    %mul3A_68 = arith.constant 640 : i32
    %mul3A_69 = arith.muli %arg1, %mul3A_68 : i32
    %add3A_70 = arith.constant 600 : i32
    %add3A_71 = arith.addi %mul3A_69, %add3A_70 : i32
    "tpu.region"() ({
      %run_scoped3A = tpu.sem_alloc : memref<!tpu.dma_semaphore, #tpu.memory_space<semaphore_mem>>
      %dma_start3A_115 = arith.constant 0 : i32
      %dma_start3A_116 = arith.constant 0 : i32
      %dma_start3A_117 = tpu.memref_slice %arg9[%dma_start3A_115, %dma_start3A_116] : memref<40x136xf32, #tpu.memory_space<vmem>> -> memref<40x136xf32, #tpu.memory_space<vmem>>
      %dma_start3A_118 = arith.constant 0 : i32
      %dma_start3A_119 = tpu.memref_slice %arg14[%add3A_71, %dma_start3A_118] : memref<10240x136xf32, #tpu.memory_space<vmem_shared>> -> memref<40x136xf32, #tpu.memory_space<vmem_shared>>
      %dma_start3A_120 = arith.constant 0 : i32
      %dma_start3A_121 = tpu.memref_slice %arg14[%add3A_71, %dma_start3A_120] : memref<10240x136xf32, #tpu.memory_space<vmem_shared>> -> memref<40x136xf32, #tpu.memory_space<vmem_shared>>
      %dma_start3A_122 = arith.constant 0 : i32
      %dma_start3A_123 = arith.constant 0 : i32
      %dma_start3A_124 = tpu.memref_slice %arg9[%dma_start3A_122, %dma_start3A_123] : memref<40x136xf32, #tpu.memory_space<vmem>> -> memref<40x136xf32, #tpu.memory_space<vmem>>
      tpu.enqueue_dma source(%dma_start3A_124 : memref<40x136xf32, #tpu.memory_space<vmem>>) target(%dma_start3A_121 : memref<40x136xf32, #tpu.memory_space<vmem_shared>>) target_semaphore(%run_scoped3A : memref<!tpu.dma_semaphore, #tpu.memory_space<semaphore_mem>>)
      %dma_wait3A_125 = arith.constant 0 : i32
      %dma_wait3A_126 = arith.constant 0 : i32
      %dma_wait3A_127 = tpu.memref_slice %arg9[%dma_wait3A_125, %dma_wait3A_126] : memref<40x136xf32, #tpu.memory_space<vmem>> -> memref<40x136xf32, #tpu.memory_space<vmem>>
      %dma_wait3A_128 = arith.constant 0 : i32
      %dma_wait3A_129 = tpu.memref_slice %arg14[%add3A_71, %dma_wait3A_128] : memref<10240x136xf32, #tpu.memory_space<vmem_shared>> -> memref<40x136xf32, #tpu.memory_space<vmem_shared>>
      %dma_wait3A_130 = arith.constant 0 : i32
      %dma_wait3A_131 = tpu.memref_slice %arg14[%add3A_71, %dma_wait3A_130] : memref<10240x136xf32, #tpu.memory_space<vmem_shared>> -> memref<40x136xf32, #tpu.memory_space<vmem_shared>>
      %dma_wait3A_132 = arith.constant 0 : i32
      %dma_wait3A_133 = arith.constant 0 : i32
      %dma_wait3A_134 = tpu.memref_slice %arg9[%dma_wait3A_132, %dma_wait3A_133] : memref<40x136xf32, #tpu.memory_space<vmem>> -> memref<40x136xf32, #tpu.memory_space<vmem>>
      tpu.wait_dma2 semaphore(%run_scoped3A : memref<!tpu.dma_semaphore, #tpu.memory_space<semaphore_mem>>) src(%dma_wait3A_134 : memref<40x136xf32, #tpu.memory_space<vmem>>) dst(%dma_wait3A_131 : memref<40x136xf32, #tpu.memory_space<vmem_shared>>)
      tpu.yield
    }) : () -> ()
    %barrier3A = arith.constant 0 : index
    tpu.barrier barrier_id(%barrier3A)
    %iota3A_72 = tpu.iota {dimensions = array<i32: 0>} : vector<16xi32>
    %xor3A = arith.constant 8 : i32
    %xor3A_73 = vector.broadcast %xor3A : i32 to vector<16xi32>
    %xor3A_74 = arith.xori %iota3A_72, %xor3A_73 : vector<16xi32>
    %iota3A_75 = tpu.iota {dimensions = array<i32: 0>} : vector<16xi32>
    %lt3A = arith.constant 8 : i32
    %lt3A_76 = vector.broadcast %lt3A : i32 to vector<16xi32>
    %lt3A_77 = arith.cmpi slt, %iota3A_75, %lt3A_76 : vector<16xi32>
    %mul3A_78 = arith.constant 250 : i32
    %mul3A_79 = arith.muli %add3A, %mul3A_78 : i32
    %add3A_80 = arith.constant 0 : i32
    %add3A_81 = arith.addi %mul3A_79, %add3A_80 : i32
    %mul3A_82 = arith.constant 2 : i32
    %mul3A_83 = arith.muli %add3A_81, %mul3A_82 : i32
    "tpu.region"() ({
      %run_scoped3A = tpu.sem_alloc : memref<!tpu.dma_semaphore, #tpu.memory_space<semaphore_mem>>
      %dma_start3A_115 = arith.constant 0 : i32
      %dma_start3A_116 = tpu.memref_slice %arg2[%mul3A_83, %dma_start3A_115] : memref<16000x40xi32, #tpu.memory_space<hbm>> -> memref<2x40xi32, #tpu.memory_space<hbm>>
      %dma_start3A_117 = arith.constant 0 : i32
      %dma_start3A_118 = tpu.memref_slice %arg2[%mul3A_83, %dma_start3A_117] : memref<16000x40xi32, #tpu.memory_space<hbm>> -> memref<2x40xi32, #tpu.memory_space<hbm>>
      tpu.enqueue_dma source(%dma_start3A_118 : memref<2x40xi32, #tpu.memory_space<hbm>>) target(%arg6 : memref<2x40xi32, #tpu.memory_space<vmem>>) target_semaphore(%run_scoped3A : memref<!tpu.dma_semaphore, #tpu.memory_space<semaphore_mem>>)
      %dma_wait3A_119 = arith.constant 0 : i32
      %dma_wait3A_120 = tpu.memref_slice %arg2[%mul3A_83, %dma_wait3A_119] : memref<16000x40xi32, #tpu.memory_space<hbm>> -> memref<2x40xi32, #tpu.memory_space<hbm>>
      %dma_wait3A_121 = arith.constant 0 : i32
      %dma_wait3A_122 = tpu.memref_slice %arg2[%mul3A_83, %dma_wait3A_121] : memref<16000x40xi32, #tpu.memory_space<hbm>> -> memref<2x40xi32, #tpu.memory_space<hbm>>
      tpu.wait_dma2 semaphore(%run_scoped3A : memref<!tpu.dma_semaphore, #tpu.memory_space<semaphore_mem>>) src(%dma_wait3A_122 : memref<2x40xi32, #tpu.memory_space<hbm>>) dst(%arg6 : memref<2x40xi32, #tpu.memory_space<vmem>>)
      tpu.yield
    }) : () -> ()
    %dma_start3A = arith.constant 0 : i32
    %dma_start3A_84 = arith.constant 0 : i32
    %dma_start3A_85 = tpu.memref_slice %arg6[%dma_start3A, %dma_start3A_84] : memref<2x40xi32, #tpu.memory_space<vmem>> -> memref<1x40xi32, #tpu.memory_space<vmem>>
    %dma_start3A_86 = tpu.memref_squeeze %dma_start3A_85 : memref<1x40xi32, #tpu.memory_space<vmem>> -> memref<40xi32, #tpu.memory_space<vmem>>
    %dma_start3A_87 = arith.constant 0 : i32
    %dma_start3A_88 = arith.constant 0 : i32
    %dma_start3A_89 = tpu.memref_slice %arg3[%dma_start3A_87, %dma_start3A_88] : memref<10000x64xi32, #tpu.memory_space<hbm>> -> memref<10000x64xi32, #tpu.memory_space<hbm>>
    tpu.enqueue_indirect_dma source(%dma_start3A_89 : memref<10000x64xi32, #tpu.memory_space<hbm>>) target(%arg7 : memref<40x64xi32, #tpu.memory_space<vmem>>) offsets(%dma_start3A_86 : memref<40xi32, #tpu.memory_space<vmem>>) semaphore(%arg15 : memref<!tpu.dma_semaphore, #tpu.memory_space<semaphore_mem>>)
    %dma_start3A_90 = arith.constant 1 : i32
    %dma_start3A_91 = arith.constant 0 : i32
    %dma_start3A_92 = tpu.memref_slice %arg6[%dma_start3A_90, %dma_start3A_91] : memref<2x40xi32, #tpu.memory_space<vmem>> -> memref<1x40xi32, #tpu.memory_space<vmem>>
    %dma_start3A_93 = tpu.memref_squeeze %dma_start3A_92 : memref<1x40xi32, #tpu.memory_space<vmem>> -> memref<40xi32, #tpu.memory_space<vmem>>
    %dma_start3A_94 = arith.constant 0 : i32
    %dma_start3A_95 = arith.constant 0 : i32
    %dma_start3A_96 = tpu.memref_slice %arg4[%dma_start3A_94, %dma_start3A_95] : memref<10000x128xi32, #tpu.memory_space<hbm>> -> memref<10000x128xi32, #tpu.memory_space<hbm>>
    tpu.enqueue_indirect_dma source(%dma_start3A_96 : memref<10000x128xi32, #tpu.memory_space<hbm>>) target(%arg8 : memref<40x128xi32, #tpu.memory_space<vmem>>) offsets(%dma_start3A_93 : memref<40xi32, #tpu.memory_space<vmem>>) semaphore(%arg16 : memref<!tpu.dma_semaphore, #tpu.memory_space<semaphore_mem>>)
    %scan3A_97 = arith.constant 0 : i32
    %scan3A_98 = arith.constant 0 : i32
    %scan3A_99 = arith.constant 125 : i32
    %scan3A_100 = arith.addi %scan3A_98, %scan3A_99 : i32
    %scan3A_101 = arith.constant 1 : i32
    %scan3A_102 = scf.for %scan3A_115 = %scan3A_98 to %scan3A_100 step %scan3A_101 iter_args(%scan3A_116 = %scan3A_97) -> (i32)  : i32 {
      %mul3A_117 = arith.constant 2 : i32
      %mul3A_118 = arith.muli %mul3A_117, %scan3A_115 : i32
      %gt3A = arith.constant 0 : i32
      %gt3A_119 = arith.cmpi sgt, %mul3A_118, %gt3A : i32
      %convert_element_type3A = arith.extui %gt3A_119 : i1 to i32
      %cond3A = arith.constant 0 : i32
      %cond3A_120 = arith.cmpi ne, %convert_element_type3A, %cond3A : i32
      scf.if %cond3A_120 {
        %dma_wait3A_201 = arith.constant 0 : i32
        %dma_wait3A_202 = arith.constant 0 : i32
        %dma_wait3A_203 = tpu.memref_slice %arg10[%dma_wait3A_201, %dma_wait3A_202] : memref<2x40xi32, #tpu.memory_space<vmem>> -> memref<1x40xi32, #tpu.memory_space<vmem>>
        %dma_wait3A_204 = tpu.memref_squeeze %dma_wait3A_203 : memref<1x40xi32, #tpu.memory_space<vmem>> -> memref<40xi32, #tpu.memory_space<vmem>>
        %dma_wait3A_205 = arith.constant 0 : i32
        %dma_wait3A_206 = arith.constant 0 : i32
        %dma_wait3A_207 = tpu.memref_slice %arg14[%dma_wait3A_205, %dma_wait3A_206] : memref<10240x136xf32, #tpu.memory_space<vmem_shared>> -> memref<10240x136xf32, #tpu.memory_space<vmem_shared>>
        tpu.wait_indirect_dma semaphore(%arg18 : memref<!tpu.dma_semaphore, #tpu.memory_space<semaphore_mem>>) src(%arg13 : memref<40x136xf32, #tpu.memory_space<vmem>>) dst(%dma_wait3A_207 : memref<10240x136xf32, #tpu.memory_space<vmem_shared>>)
      } else {
      }
      %add3A_121 = arith.constant 1 : i32
      %add3A_122 = arith.addi %mul3A_118, %add3A_121 : i32
      %lt3A_123 = arith.constant 250 : i32
      %lt3A_124 = arith.cmpi slt, %add3A_122, %lt3A_123 : i32
      %convert_element_type3A_125 = arith.extui %lt3A_124 : i1 to i32
      %cond3A_126 = arith.constant 0 : i32
      %cond3A_127 = arith.cmpi ne, %convert_element_type3A_125, %cond3A_126 : i32
      scf.if %cond3A_127 {
        %add3A_201 = arith.constant 1 : i32
        %add3A_202 = arith.addi %mul3A_118, %add3A_201 : i32
        %mul3A_203 = arith.constant 250 : i32
        %mul3A_204 = arith.muli %add3A, %mul3A_203 : i32
        %add3A_205 = arith.addi %mul3A_204, %add3A_202 : i32
        %mul3A_206 = arith.constant 2 : i32
        %mul3A_207 = arith.muli %add3A_205, %mul3A_206 : i32
        "tpu.region"() ({
          %run_scoped3A = tpu.sem_alloc : memref<!tpu.dma_semaphore, #tpu.memory_space<semaphore_mem>>
          %dma_start3A_222 = arith.constant 0 : i32
          %dma_start3A_223 = tpu.memref_slice %arg2[%mul3A_207, %dma_start3A_222] : memref<16000x40xi32, #tpu.memory_space<hbm>> -> memref<2x40xi32, #tpu.memory_space<hbm>>
          %dma_start3A_224 = arith.constant 0 : i32
          %dma_start3A_225 = tpu.memref_slice %arg2[%mul3A_207, %dma_start3A_224] : memref<16000x40xi32, #tpu.memory_space<hbm>> -> memref<2x40xi32, #tpu.memory_space<hbm>>
          tpu.enqueue_dma source(%dma_start3A_225 : memref<2x40xi32, #tpu.memory_space<hbm>>) target(%arg10 : memref<2x40xi32, #tpu.memory_space<vmem>>) target_semaphore(%run_scoped3A : memref<!tpu.dma_semaphore, #tpu.memory_space<semaphore_mem>>)
          %dma_wait3A_226 = arith.constant 0 : i32
          %dma_wait3A_227 = tpu.memref_slice %arg2[%mul3A_207, %dma_wait3A_226] : memref<16000x40xi32, #tpu.memory_space<hbm>> -> memref<2x40xi32, #tpu.memory_space<hbm>>
          %dma_wait3A_228 = arith.constant 0 : i32
          %dma_wait3A_229 = tpu.memref_slice %arg2[%mul3A_207, %dma_wait3A_228] : memref<16000x40xi32, #tpu.memory_space<hbm>> -> memref<2x40xi32, #tpu.memory_space<hbm>>
          tpu.wait_dma2 semaphore(%run_scoped3A : memref<!tpu.dma_semaphore, #tpu.memory_space<semaphore_mem>>) src(%dma_wait3A_229 : memref<2x40xi32, #tpu.memory_space<hbm>>) dst(%arg10 : memref<2x40xi32, #tpu.memory_space<vmem>>)
          tpu.yield
        }) : () -> ()
        %dma_start3A_208 = arith.constant 0 : i32
        %dma_start3A_209 = arith.constant 0 : i32
        %dma_start3A_210 = tpu.memref_slice %arg10[%dma_start3A_208, %dma_start3A_209] : memref<2x40xi32, #tpu.memory_space<vmem>> -> memref<1x40xi32, #tpu.memory_space<vmem>>
        %dma_start3A_211 = tpu.memref_squeeze %dma_start3A_210 : memref<1x40xi32, #tpu.memory_space<vmem>> -> memref<40xi32, #tpu.memory_space<vmem>>
        %dma_start3A_212 = arith.constant 0 : i32
        %dma_start3A_213 = arith.constant 0 : i32
        %dma_start3A_214 = tpu.memref_slice %arg3[%dma_start3A_212, %dma_start3A_213] : memref<10000x64xi32, #tpu.memory_space<hbm>> -> memref<10000x64xi32, #tpu.memory_space<hbm>>
        tpu.enqueue_indirect_dma source(%dma_start3A_214 : memref<10000x64xi32, #tpu.memory_space<hbm>>) target(%arg11 : memref<40x64xi32, #tpu.memory_space<vmem>>) offsets(%dma_start3A_211 : memref<40xi32, #tpu.memory_space<vmem>>) semaphore(%arg15 : memref<!tpu.dma_semaphore, #tpu.memory_space<semaphore_mem>>)
        %dma_start3A_215 = arith.constant 1 : i32
        %dma_start3A_216 = arith.constant 0 : i32
        %dma_start3A_217 = tpu.memref_slice %arg10[%dma_start3A_215, %dma_start3A_216] : memref<2x40xi32, #tpu.memory_space<vmem>> -> memref<1x40xi32, #tpu.memory_space<vmem>>
        %dma_start3A_218 = tpu.memref_squeeze %dma_start3A_217 : memref<1x40xi32, #tpu.memory_space<vmem>> -> memref<40xi32, #tpu.memory_space<vmem>>
        %dma_start3A_219 = arith.constant 0 : i32
        %dma_start3A_220 = arith.constant 0 : i32
        %dma_start3A_221 = tpu.memref_slice %arg4[%dma_start3A_219, %dma_start3A_220] : memref<10000x128xi32, #tpu.memory_space<hbm>> -> memref<10000x128xi32, #tpu.memory_space<hbm>>
        tpu.enqueue_indirect_dma source(%dma_start3A_221 : memref<10000x128xi32, #tpu.memory_space<hbm>>) target(%arg12 : memref<40x128xi32, #tpu.memory_space<vmem>>) offsets(%dma_start3A_218 : memref<40xi32, #tpu.memory_space<vmem>>) semaphore(%arg16 : memref<!tpu.dma_semaphore, #tpu.memory_space<semaphore_mem>>)
      } else {
      }
      %dma_wait3A_128 = arith.constant 0 : i32
      %dma_wait3A_129 = arith.constant 0 : i32
      %dma_wait3A_130 = tpu.memref_slice %arg6[%dma_wait3A_128, %dma_wait3A_129] : memref<2x40xi32, #tpu.memory_space<vmem>> -> memref<1x40xi32, #tpu.memory_space<vmem>>
      %dma_wait3A_131 = tpu.memref_squeeze %dma_wait3A_130 : memref<1x40xi32, #tpu.memory_space<vmem>> -> memref<40xi32, #tpu.memory_space<vmem>>
      %dma_wait3A_132 = arith.constant 0 : i32
      %dma_wait3A_133 = arith.constant 0 : i32
      %dma_wait3A_134 = tpu.memref_slice %arg3[%dma_wait3A_132, %dma_wait3A_133] : memref<10000x64xi32, #tpu.memory_space<hbm>> -> memref<10000x64xi32, #tpu.memory_space<hbm>>
      tpu.wait_indirect_dma semaphore(%arg15 : memref<!tpu.dma_semaphore, #tpu.memory_space<semaphore_mem>>) src(%dma_wait3A_134 : memref<10000x64xi32, #tpu.memory_space<hbm>>) dst(%arg7 : memref<40x64xi32, #tpu.memory_space<vmem>>)
      %dma_wait3A_135 = arith.constant 1 : i32
      %dma_wait3A_136 = arith.constant 0 : i32
      %dma_wait3A_137 = tpu.memref_slice %arg6[%dma_wait3A_135, %dma_wait3A_136] : memref<2x40xi32, #tpu.memory_space<vmem>> -> memref<1x40xi32, #tpu.memory_space<vmem>>
      %dma_wait3A_138 = tpu.memref_squeeze %dma_wait3A_137 : memref<1x40xi32, #tpu.memory_space<vmem>> -> memref<40xi32, #tpu.memory_space<vmem>>
      %dma_wait3A_139 = arith.constant 0 : i32
      %dma_wait3A_140 = arith.constant 0 : i32
      %dma_wait3A_141 = tpu.memref_slice %arg4[%dma_wait3A_139, %dma_wait3A_140] : memref<10000x128xi32, #tpu.memory_space<hbm>> -> memref<10000x128xi32, #tpu.memory_space<hbm>>
      tpu.wait_indirect_dma semaphore(%arg16 : memref<!tpu.dma_semaphore, #tpu.memory_space<semaphore_mem>>) src(%dma_wait3A_141 : memref<10000x128xi32, #tpu.memory_space<hbm>>) dst(%arg8 : memref<40x128xi32, #tpu.memory_space<vmem>>)
      %scan3A_142 = arith.constant 0 : i32
      %scan3A_143 = arith.constant 0 : i32
      %scan3A_144 = arith.constant 40 : i32
      %scan3A_145 = arith.addi %scan3A_143, %scan3A_144 : i32
      %scan3A_146 = arith.constant 1 : i32
      %scan3A_147 = scf.for %scan3A_201 = %scan3A_143 to %scan3A_145 step %scan3A_146 iter_args(%scan3A_202 = %scan3A_142) -> (i32)  : i32 {
        %get3A = arith.index_cast %scan3A_201 : i32 to index
        %get3A_203 = arith.constant 0 : index
        %get3A_204 = tpu.vector_load %arg7[%get3A, %get3A_203] {strides = array<i32>} : memref<40x64xi32, #tpu.memory_space<vmem>>, vector<16xi32>,
        %bitcast3A = vector.bitcast %get3A_204 : vector<16xi32> to vector<32xbf16>
        %unpack3A = tpu.unpack_subelements %bitcast3A, 0 {pack_format = #tpu.pack_format<interleaved>} : vector<32xbf16> -> vector<16xf32>
        %unpack3A_205 = tpu.unpack_subelements %bitcast3A, 1 {pack_format = #tpu.pack_format<interleaved>} : vector<32xbf16> -> vector<16xf32>
        %get3A_206 = arith.index_cast %scan3A_201 : i32 to index
        %get3A_207 = arith.constant 0 : index
        %get3A_208 = tpu.vector_load %arg8[%get3A_206, %get3A_207] {strides = array<i32>} : memref<40x128xi32, #tpu.memory_space<vmem>>, vector<16xi32>,
        %bitcast3A_209 = vector.bitcast %get3A_208 : vector<16xi32> to vector<32xbf16>
        %unpack3A_210 = tpu.unpack_subelements %bitcast3A_209, 0 {pack_format = #tpu.pack_format<interleaved>} : vector<32xbf16> -> vector<16xf32>
        %unpack3A_211 = tpu.unpack_subelements %bitcast3A_209, 1 {pack_format = #tpu.pack_format<interleaved>} : vector<32xbf16> -> vector<16xf32>
        %mul3A_212 = arith.mulf %unpack3A, %unpack3A_210 : vector<16xf32>
        %mul3A_213 = arith.mulf %unpack3A_205, %unpack3A_211 : vector<16xf32>
        %add3A_214 = arith.addf %mul3A_212, %mul3A_213 : vector<16xf32>
        %get3A_215 = arith.index_cast %scan3A_201 : i32 to index
        %get3A_216 = arith.constant 16 : index
        %get3A_217 = tpu.vector_load %arg7[%get3A_215, %get3A_216] {strides = array<i32>} : memref<40x64xi32, #tpu.memory_space<vmem>>, vector<16xi32>,
        %bitcast3A_218 = vector.bitcast %get3A_217 : vector<16xi32> to vector<32xbf16>
        %unpack3A_219 = tpu.unpack_subelements %bitcast3A_218, 0 {pack_format = #tpu.pack_format<interleaved>} : vector<32xbf16> -> vector<16xf32>
        %unpack3A_220 = tpu.unpack_subelements %bitcast3A_218, 1 {pack_format = #tpu.pack_format<interleaved>} : vector<32xbf16> -> vector<16xf32>
        %get3A_221 = arith.index_cast %scan3A_201 : i32 to index
        %get3A_222 = arith.constant 16 : index
        %get3A_223 = tpu.vector_load %arg8[%get3A_221, %get3A_222] {strides = array<i32>} : memref<40x128xi32, #tpu.memory_space<vmem>>, vector<16xi32>,
        %bitcast3A_224 = vector.bitcast %get3A_223 : vector<16xi32> to vector<32xbf16>
        %unpack3A_225 = tpu.unpack_subelements %bitcast3A_224, 0 {pack_format = #tpu.pack_format<interleaved>} : vector<32xbf16> -> vector<16xf32>
        %unpack3A_226 = tpu.unpack_subelements %bitcast3A_224, 1 {pack_format = #tpu.pack_format<interleaved>} : vector<32xbf16> -> vector<16xf32>
        %mul3A_227 = arith.mulf %unpack3A_219, %unpack3A_225 : vector<16xf32>
        %mul3A_228 = arith.mulf %unpack3A_220, %unpack3A_226 : vector<16xf32>
        %add3A_229 = arith.addf %mul3A_227, %mul3A_228 : vector<16xf32>
        %add3A_230 = arith.addf %add3A_214, %add3A_229 : vector<16xf32>
        %get3A_231 = arith.index_cast %scan3A_201 : i32 to index
        %get3A_232 = arith.constant 32 : index
        %get3A_233 = tpu.vector_load %arg7[%get3A_231, %get3A_232] {strides = array<i32>} : memref<40x64xi32, #tpu.memory_space<vmem>>, vector<16xi32>,
        %bitcast3A_234 = vector.bitcast %get3A_233 : vector<16xi32> to vector<32xbf16>
        %unpack3A_235 = tpu.unpack_subelements %bitcast3A_234, 0 {pack_format = #tpu.pack_format<interleaved>} : vector<32xbf16> -> vector<16xf32>
        %unpack3A_236 = tpu.unpack_subelements %bitcast3A_234, 1 {pack_format = #tpu.pack_format<interleaved>} : vector<32xbf16> -> vector<16xf32>
        %get3A_237 = arith.index_cast %scan3A_201 : i32 to index
        %get3A_238 = arith.constant 32 : index
        %get3A_239 = tpu.vector_load %arg8[%get3A_237, %get3A_238] {strides = array<i32>} : memref<40x128xi32, #tpu.memory_space<vmem>>, vector<16xi32>,
        %bitcast3A_240 = vector.bitcast %get3A_239 : vector<16xi32> to vector<32xbf16>
        %unpack3A_241 = tpu.unpack_subelements %bitcast3A_240, 0 {pack_format = #tpu.pack_format<interleaved>} : vector<32xbf16> -> vector<16xf32>
        %unpack3A_242 = tpu.unpack_subelements %bitcast3A_240, 1 {pack_format = #tpu.pack_format<interleaved>} : vector<32xbf16> -> vector<16xf32>
        %mul3A_243 = arith.mulf %unpack3A_235, %unpack3A_241 : vector<16xf32>
        %mul3A_244 = arith.mulf %unpack3A_236, %unpack3A_242 : vector<16xf32>
        %add3A_245 = arith.addf %mul3A_243, %mul3A_244 : vector<16xf32>
        %add3A_246 = arith.addf %add3A_230, %add3A_245 : vector<16xf32>
        %get3A_247 = arith.index_cast %scan3A_201 : i32 to index
        %get3A_248 = arith.constant 48 : index
        %get3A_249 = tpu.vector_load %arg7[%get3A_247, %get3A_248] {strides = array<i32>} : memref<40x64xi32, #tpu.memory_space<vmem>>, vector<16xi32>,
        %bitcast3A_250 = vector.bitcast %get3A_249 : vector<16xi32> to vector<32xbf16>
        %unpack3A_251 = tpu.unpack_subelements %bitcast3A_250, 0 {pack_format = #tpu.pack_format<interleaved>} : vector<32xbf16> -> vector<16xf32>
        %unpack3A_252 = tpu.unpack_subelements %bitcast3A_250, 1 {pack_format = #tpu.pack_format<interleaved>} : vector<32xbf16> -> vector<16xf32>
        %get3A_253 = arith.index_cast %scan3A_201 : i32 to index
        %get3A_254 = arith.constant 48 : index
        %get3A_255 = tpu.vector_load %arg8[%get3A_253, %get3A_254] {strides = array<i32>} : memref<40x128xi32, #tpu.memory_space<vmem>>, vector<16xi32>,
        %bitcast3A_256 = vector.bitcast %get3A_255 : vector<16xi32> to vector<32xbf16>
        %unpack3A_257 = tpu.unpack_subelements %bitcast3A_256, 0 {pack_format = #tpu.pack_format<interleaved>} : vector<32xbf16> -> vector<16xf32>
        %unpack3A_258 = tpu.unpack_subelements %bitcast3A_256, 1 {pack_format = #tpu.pack_format<interleaved>} : vector<32xbf16> -> vector<16xf32>
        %mul3A_259 = arith.mulf %unpack3A_251, %unpack3A_257 : vector<16xf32>
        %mul3A_260 = arith.mulf %unpack3A_252, %unpack3A_258 : vector<16xf32>
        %add3A_261 = arith.addf %mul3A_259, %mul3A_260 : vector<16xf32>
        %add3A_262 = arith.addf %add3A_246, %add3A_261 : vector<16xf32>
        %masked_sort3A = arith.constant dense<true> : vector<16xi1>
        %masked_sort3A_263 = arith.constant -2147483648 : i32
        %masked_sort3A_264 = vector.broadcast %masked_sort3A_263 : i32 to vector<16xi32>
        %masked_sort3A_265 = arith.xori %xor3A_74, %masked_sort3A_264 : vector<16xi32>
        %masked_sort3A_266, %masked_sort3A_267, %masked_sort3A_268 = tpu.sort %masked_sort3A_265, %add3A_262 masked %masked_sort3A : (vector<16xi32>, vector<16xf32>, vector<16xi1>) -> (vector<16xi1>, vector<16xi32>, vector<16xf32>)
        %masked_sort3A_269 = arith.xori %masked_sort3A_267, %masked_sort3A_264 : vector<16xi32>
        %add3A_270 = arith.addf %add3A_262, %masked_sort3A_268 : vector<16xf32>
        %exp3A = math.exp %add3A_270 : vector<16xf32>
        %broadcast_in_dim3A_271 = vector.broadcast %scan3A_201 : i32 to vector<16xi32>
        %iota3A_272 = tpu.iota {dimensions = array<i32: 0>} : vector<16xi32>
        %add3A_273 = arith.constant 128 : i32
        %add3A_274 = vector.broadcast %add3A_273 : i32 to vector<16xi32>
        %add3A_275 = arith.addi %iota3A_272, %add3A_274 : vector<16xi32>
        tpu.vector_store_idx %arg9[%broadcast_in_dim3A_271, %add3A_275], %exp3A masked %lt3A_77 : memref<40x136xf32, #tpu.memory_space<vmem>>[vector<16xi32>, vector<16xi32>], vector<16xf32>, vector<16xi1>
        %get3A_276 = arith.index_cast %scan3A_201 : i32 to index
        %get3A_277 = arith.constant 64 : index
        %get3A_278 = tpu.vector_load %arg8[%get3A_276, %get3A_277] {strides = array<i32>} : memref<40x128xi32, #tpu.memory_space<vmem>>, vector<16xi32>,
        %bitcast3A_279 = vector.bitcast %get3A_278 : vector<16xi32> to vector<32xbf16>
        %unpack3A_280 = tpu.unpack_subelements %bitcast3A_279, 0 {pack_format = #tpu.pack_format<interleaved>} : vector<32xbf16> -> vector<16xf32>
        %unpack3A_281 = tpu.unpack_subelements %bitcast3A_279, 1 {pack_format = #tpu.pack_format<interleaved>} : vector<32xbf16> -> vector<16xf32>
        %mul3A_282 = arith.mulf %exp3A, %unpack3A_280 : vector<16xf32>
        %swap3A = arith.index_cast %scan3A_201 : i32 to index
        %swap3A_283 = arith.constant 0 : index
        %swap3A_284 = tpu.vector_load %arg9[%swap3A, %swap3A_283] {strides = array<i32>} : memref<40x136xf32, #tpu.memory_space<vmem>>, vector<16xf32>,
        tpu.vector_store %arg9[%swap3A, %swap3A_283], %mul3A_282 {strides = array<i32>} : memref<40x136xf32, #tpu.memory_space<vmem>>, vector<16xf32>,
        %mul3A_285 = arith.mulf %exp3A, %unpack3A_281 : vector<16xf32>
        %swap3A_286 = arith.index_cast %scan3A_201 : i32 to index
        %swap3A_287 = arith.constant 16 : index
        %swap3A_288 = tpu.vector_load %arg9[%swap3A_286, %swap3A_287] {strides = array<i32>} : memref<40x136xf32, #tpu.memory_space<vmem>>, vector<16xf32>,
        tpu.vector_store %arg9[%swap3A_286, %swap3A_287], %mul3A_285 {strides = array<i32>} : memref<40x136xf32, #tpu.memory_space<vmem>>, vector<16xf32>,
        %get3A_289 = arith.index_cast %scan3A_201 : i32 to index
        %get3A_290 = arith.constant 80 : index
        %get3A_291 = tpu.vector_load %arg8[%get3A_289, %get3A_290] {strides = array<i32>} : memref<40x128xi32, #tpu.memory_space<vmem>>, vector<16xi32>,
        %bitcast3A_292 = vector.bitcast %get3A_291 : vector<16xi32> to vector<32xbf16>
        %unpack3A_293 = tpu.unpack_subelements %bitcast3A_292, 0 {pack_format = #tpu.pack_format<interleaved>} : vector<32xbf16> -> vector<16xf32>
        %unpack3A_294 = tpu.unpack_subelements %bitcast3A_292, 1 {pack_format = #tpu.pack_format<interleaved>} : vector<32xbf16> -> vector<16xf32>
        %mul3A_295 = arith.mulf %exp3A, %unpack3A_293 : vector<16xf32>
        %swap3A_296 = arith.index_cast %scan3A_201 : i32 to index
        %swap3A_297 = arith.constant 32 : index
        %swap3A_298 = tpu.vector_load %arg9[%swap3A_296, %swap3A_297] {strides = array<i32>} : memref<40x136xf32, #tpu.memory_space<vmem>>, vector<16xf32>,
        tpu.vector_store %arg9[%swap3A_296, %swap3A_297], %mul3A_295 {strides = array<i32>} : memref<40x136xf32, #tpu.memory_space<vmem>>, vector<16xf32>,
        %mul3A_299 = arith.mulf %exp3A, %unpack3A_294 : vector<16xf32>
        %swap3A_300 = arith.index_cast %scan3A_201 : i32 to index
        %swap3A_301 = arith.constant 48 : index
        %swap3A_302 = tpu.vector_load %arg9[%swap3A_300, %swap3A_301] {strides = array<i32>} : memref<40x136xf32, #tpu.memory_space<vmem>>, vector<16xf32>,
        tpu.vector_store %arg9[%swap3A_300, %swap3A_301], %mul3A_299 {strides = array<i32>} : memref<40x136xf32, #tpu.memory_space<vmem>>, vector<16xf32>,
        %get3A_303 = arith.index_cast %scan3A_201 : i32 to index
        %get3A_304 = arith.constant 96 : index
        %get3A_305 = tpu.vector_load %arg8[%get3A_303, %get3A_304] {strides = array<i32>} : memref<40x128xi32, #tpu.memory_space<vmem>>, vector<16xi32>,
        %bitcast3A_306 = vector.bitcast %get3A_305 : vector<16xi32> to vector<32xbf16>
        %unpack3A_307 = tpu.unpack_subelements %bitcast3A_306, 0 {pack_format = #tpu.pack_format<interleaved>} : vector<32xbf16> -> vector<16xf32>
        %unpack3A_308 = tpu.unpack_subelements %bitcast3A_306, 1 {pack_format = #tpu.pack_format<interleaved>} : vector<32xbf16> -> vector<16xf32>
        %mul3A_309 = arith.mulf %exp3A, %unpack3A_307 : vector<16xf32>
        %swap3A_310 = arith.index_cast %scan3A_201 : i32 to index
        %swap3A_311 = arith.constant 64 : index
        %swap3A_312 = tpu.vector_load %arg9[%swap3A_310, %swap3A_311] {strides = array<i32>} : memref<40x136xf32, #tpu.memory_space<vmem>>, vector<16xf32>,
        tpu.vector_store %arg9[%swap3A_310, %swap3A_311], %mul3A_309 {strides = array<i32>} : memref<40x136xf32, #tpu.memory_space<vmem>>, vector<16xf32>,
        %mul3A_313 = arith.mulf %exp3A, %unpack3A_308 : vector<16xf32>
        %swap3A_314 = arith.index_cast %scan3A_201 : i32 to index
        %swap3A_315 = arith.constant 80 : index
        %swap3A_316 = tpu.vector_load %arg9[%swap3A_314, %swap3A_315] {strides = array<i32>} : memref<40x136xf32, #tpu.memory_space<vmem>>, vector<16xf32>,
        tpu.vector_store %arg9[%swap3A_314, %swap3A_315], %mul3A_313 {strides = array<i32>} : memref<40x136xf32, #tpu.memory_space<vmem>>, vector<16xf32>,
        %get3A_317 = arith.index_cast %scan3A_201 : i32 to index
        %get3A_318 = arith.constant 112 : index
        %get3A_319 = tpu.vector_load %arg8[%get3A_317, %get3A_318] {strides = array<i32>} : memref<40x128xi32, #tpu.memory_space<vmem>>, vector<16xi32>,
        %bitcast3A_320 = vector.bitcast %get3A_319 : vector<16xi32> to vector<32xbf16>
        %unpack3A_321 = tpu.unpack_subelements %bitcast3A_320, 0 {pack_format = #tpu.pack_format<interleaved>} : vector<32xbf16> -> vector<16xf32>
        %unpack3A_322 = tpu.unpack_subelements %bitcast3A_320, 1 {pack_format = #tpu.pack_format<interleaved>} : vector<32xbf16> -> vector<16xf32>
        %mul3A_323 = arith.mulf %exp3A, %unpack3A_321 : vector<16xf32>
        %swap3A_324 = arith.index_cast %scan3A_201 : i32 to index
        %swap3A_325 = arith.constant 96 : index
        %swap3A_326 = tpu.vector_load %arg9[%swap3A_324, %swap3A_325] {strides = array<i32>} : memref<40x136xf32, #tpu.memory_space<vmem>>, vector<16xf32>,
        tpu.vector_store %arg9[%swap3A_324, %swap3A_325], %mul3A_323 {strides = array<i32>} : memref<40x136xf32, #tpu.memory_space<vmem>>, vector<16xf32>,
        %mul3A_327 = arith.mulf %exp3A, %unpack3A_322 : vector<16xf32>
        %swap3A_328 = arith.index_cast %scan3A_201 : i32 to index
        %swap3A_329 = arith.constant 112 : index
        %swap3A_330 = tpu.vector_load %arg9[%swap3A_328, %swap3A_329] {strides = array<i32>} : memref<40x136xf32, #tpu.memory_space<vmem>>, vector<16xf32>,
        tpu.vector_store %arg9[%swap3A_328, %swap3A_329], %mul3A_327 {strides = array<i32>} : memref<40x136xf32, #tpu.memory_space<vmem>>, vector<16xf32>,
        %scan3A_331 = arith.constant 0 : i32
        scf.yield %scan3A_331 : i32
      }
      %scan3A_148 = arith.constant 40 : i32
      %dma_start3A_149 = arith.constant 0 : i32
      %dma_start3A_150 = arith.constant 0 : i32
      %dma_start3A_151 = tpu.memref_slice %arg6[%dma_start3A_149, %dma_start3A_150] : memref<2x40xi32, #tpu.memory_space<vmem>> -> memref<1x40xi32, #tpu.memory_space<vmem>>
      %dma_start3A_152 = tpu.memref_squeeze %dma_start3A_151 : memref<1x40xi32, #tpu.memory_space<vmem>> -> memref<40xi32, #tpu.memory_space<vmem>>
      %dma_start3A_153 = arith.constant 0 : i32
      %dma_start3A_154 = arith.constant 0 : i32
      %dma_start3A_155 = tpu.memref_slice %arg14[%dma_start3A_153, %dma_start3A_154] : memref<10240x136xf32, #tpu.memory_space<vmem_shared>> -> memref<10240x136xf32, #tpu.memory_space<vmem_shared>>
      tpu.enqueue_indirect_dma source(%arg9 : memref<40x136xf32, #tpu.memory_space<vmem>>) target(%dma_start3A_155 : memref<10240x136xf32, #tpu.memory_space<vmem_shared>>) offsets(%dma_start3A_152 : memref<40xi32, #tpu.memory_space<vmem>>) semaphore(%arg17 : memref<!tpu.dma_semaphore, #tpu.memory_space<semaphore_mem>>) {add = true}
      %mul3A_156 = arith.constant 2 : i32
      %mul3A_157 = arith.muli %mul3A_156, %scan3A_115 : i32
      %add3A_158 = arith.constant 1 : i32
      %add3A_159 = arith.addi %mul3A_157, %add3A_158 : i32
      %gt3A_160 = arith.constant 0 : i32
      %gt3A_161 = arith.cmpi sgt, %add3A_159, %gt3A_160 : i32
      %convert_element_type3A_162 = arith.extui %gt3A_161 : i1 to i32
      %cond3A_163 = arith.constant 0 : i32
      %cond3A_164 = arith.cmpi ne, %convert_element_type3A_162, %cond3A_163 : i32
      scf.if %cond3A_164 {
        %dma_wait3A_201 = arith.constant 0 : i32
        %dma_wait3A_202 = arith.constant 0 : i32
        %dma_wait3A_203 = tpu.memref_slice %arg6[%dma_wait3A_201, %dma_wait3A_202] : memref<2x40xi32, #tpu.memory_space<vmem>> -> memref<1x40xi32, #tpu.memory_space<vmem>>
        %dma_wait3A_204 = tpu.memref_squeeze %dma_wait3A_203 : memref<1x40xi32, #tpu.memory_space<vmem>> -> memref<40xi32, #tpu.memory_space<vmem>>
        %dma_wait3A_205 = arith.constant 0 : i32
        %dma_wait3A_206 = arith.constant 0 : i32
        %dma_wait3A_207 = tpu.memref_slice %arg14[%dma_wait3A_205, %dma_wait3A_206] : memref<10240x136xf32, #tpu.memory_space<vmem_shared>> -> memref<10240x136xf32, #tpu.memory_space<vmem_shared>>
        tpu.wait_indirect_dma semaphore(%arg17 : memref<!tpu.dma_semaphore, #tpu.memory_space<semaphore_mem>>) src(%arg9 : memref<40x136xf32, #tpu.memory_space<vmem>>) dst(%dma_wait3A_207 : memref<10240x136xf32, #tpu.memory_space<vmem_shared>>)
      } else {
      }
      %add3A_165 = arith.constant 1 : i32
      %add3A_166 = arith.addi %add3A_159, %add3A_165 : i32
      %lt3A_167 = arith.constant 250 : i32
      %lt3A_168 = arith.cmpi slt, %add3A_166, %lt3A_167 : i32
      %convert_element_type3A_169 = arith.extui %lt3A_168 : i1 to i32
      %cond3A_170 = arith.constant 0 : i32
      %cond3A_171 = arith.cmpi ne, %convert_element_type3A_169, %cond3A_170 : i32
      scf.if %cond3A_171 {
        %add3A_201 = arith.constant 1 : i32
        %add3A_202 = arith.addi %add3A_159, %add3A_201 : i32
        %mul3A_203 = arith.constant 250 : i32
        %mul3A_204 = arith.muli %add3A, %mul3A_203 : i32
        %add3A_205 = arith.addi %mul3A_204, %add3A_202 : i32
        %mul3A_206 = arith.constant 2 : i32
        %mul3A_207 = arith.muli %add3A_205, %mul3A_206 : i32
        "tpu.region"() ({
          %run_scoped3A = tpu.sem_alloc : memref<!tpu.dma_semaphore, #tpu.memory_space<semaphore_mem>>
          %dma_start3A_222 = arith.constant 0 : i32
          %dma_start3A_223 = tpu.memref_slice %arg2[%mul3A_207, %dma_start3A_222] : memref<16000x40xi32, #tpu.memory_space<hbm>> -> memref<2x40xi32, #tpu.memory_space<hbm>>
          %dma_start3A_224 = arith.constant 0 : i32
          %dma_start3A_225 = tpu.memref_slice %arg2[%mul3A_207, %dma_start3A_224] : memref<16000x40xi32, #tpu.memory_space<hbm>> -> memref<2x40xi32, #tpu.memory_space<hbm>>
          tpu.enqueue_dma source(%dma_start3A_225 : memref<2x40xi32, #tpu.memory_space<hbm>>) target(%arg6 : memref<2x40xi32, #tpu.memory_space<vmem>>) target_semaphore(%run_scoped3A : memref<!tpu.dma_semaphore, #tpu.memory_space<semaphore_mem>>)
          %dma_wait3A_226 = arith.constant 0 : i32
          %dma_wait3A_227 = tpu.memref_slice %arg2[%mul3A_207, %dma_wait3A_226] : memref<16000x40xi32, #tpu.memory_space<hbm>> -> memref<2x40xi32, #tpu.memory_space<hbm>>
          %dma_wait3A_228 = arith.constant 0 : i32
          %dma_wait3A_229 = tpu.memref_slice %arg2[%mul3A_207, %dma_wait3A_228] : memref<16000x40xi32, #tpu.memory_space<hbm>> -> memref<2x40xi32, #tpu.memory_space<hbm>>
          tpu.wait_dma2 semaphore(%run_scoped3A : memref<!tpu.dma_semaphore, #tpu.memory_space<semaphore_mem>>) src(%dma_wait3A_229 : memref<2x40xi32, #tpu.memory_space<hbm>>) dst(%arg6 : memref<2x40xi32, #tpu.memory_space<vmem>>)
          tpu.yield
        }) : () -> ()
        %dma_start3A_208 = arith.constant 0 : i32
        %dma_start3A_209 = arith.constant 0 : i32
        %dma_start3A_210 = tpu.memref_slice %arg6[%dma_start3A_208, %dma_start3A_209] : memref<2x40xi32, #tpu.memory_space<vmem>> -> memref<1x40xi32, #tpu.memory_space<vmem>>
        %dma_start3A_211 = tpu.memref_squeeze %dma_start3A_210 : memref<1x40xi32, #tpu.memory_space<vmem>> -> memref<40xi32, #tpu.memory_space<vmem>>
        %dma_start3A_212 = arith.constant 0 : i32
        %dma_start3A_213 = arith.constant 0 : i32
        %dma_start3A_214 = tpu.memref_slice %arg3[%dma_start3A_212, %dma_start3A_213] : memref<10000x64xi32, #tpu.memory_space<hbm>> -> memref<10000x64xi32, #tpu.memory_space<hbm>>
        tpu.enqueue_indirect_dma source(%dma_start3A_214 : memref<10000x64xi32, #tpu.memory_space<hbm>>) target(%arg7 : memref<40x64xi32, #tpu.memory_space<vmem>>) offsets(%dma_start3A_211 : memref<40xi32, #tpu.memory_space<vmem>>) semaphore(%arg15 : memref<!tpu.dma_semaphore, #tpu.memory_space<semaphore_mem>>)
        %dma_start3A_215 = arith.constant 1 : i32
        %dma_start3A_216 = arith.constant 0 : i32
        %dma_start3A_217 = tpu.memref_slice %arg6[%dma_start3A_215, %dma_start3A_216] : memref<2x40xi32, #tpu.memory_space<vmem>> -> memref<1x40xi32, #tpu.memory_space<vmem>>
        %dma_start3A_218 = tpu.memref_squeeze %dma_start3A_217 : memref<1x40xi32, #tpu.memory_space<vmem>> -> memref<40xi32, #tpu.memory_space<vmem>>
        %dma_start3A_219 = arith.constant 0 : i32
        %dma_start3A_220 = arith.constant 0 : i32
        %dma_start3A_221 = tpu.memref_slice %arg4[%dma_start3A_219, %dma_start3A_220] : memref<10000x128xi32, #tpu.memory_space<hbm>> -> memref<10000x128xi32, #tpu.memory_space<hbm>>
        tpu.enqueue_indirect_dma source(%dma_start3A_221 : memref<10000x128xi32, #tpu.memory_space<hbm>>) target(%arg8 : memref<40x128xi32, #tpu.memory_space<vmem>>) offsets(%dma_start3A_218 : memref<40xi32, #tpu.memory_space<vmem>>) semaphore(%arg16 : memref<!tpu.dma_semaphore, #tpu.memory_space<semaphore_mem>>)
      } else {
      }
      %dma_wait3A_172 = arith.constant 0 : i32
      %dma_wait3A_173 = arith.constant 0 : i32
      %dma_wait3A_174 = tpu.memref_slice %arg10[%dma_wait3A_172, %dma_wait3A_173] : memref<2x40xi32, #tpu.memory_space<vmem>> -> memref<1x40xi32, #tpu.memory_space<vmem>>
      %dma_wait3A_175 = tpu.memref_squeeze %dma_wait3A_174 : memref<1x40xi32, #tpu.memory_space<vmem>> -> memref<40xi32, #tpu.memory_space<vmem>>
      %dma_wait3A_176 = arith.constant 0 : i32
      %dma_wait3A_177 = arith.constant 0 : i32
      %dma_wait3A_178 = tpu.memref_slice %arg3[%dma_wait3A_176, %dma_wait3A_177] : memref<10000x64xi32, #tpu.memory_space<hbm>> -> memref<10000x64xi32, #tpu.memory_space<hbm>>
      tpu.wait_indirect_dma semaphore(%arg15 : memref<!tpu.dma_semaphore, #tpu.memory_space<semaphore_mem>>) src(%dma_wait3A_178 : memref<10000x64xi32, #tpu.memory_space<hbm>>) dst(%arg11 : memref<40x64xi32, #tpu.memory_space<vmem>>)
      %dma_wait3A_179 = arith.constant 1 : i32
      %dma_wait3A_180 = arith.constant 0 : i32
      %dma_wait3A_181 = tpu.memref_slice %arg10[%dma_wait3A_179, %dma_wait3A_180] : memref<2x40xi32, #tpu.memory_space<vmem>> -> memref<1x40xi32, #tpu.memory_space<vmem>>
      %dma_wait3A_182 = tpu.memref_squeeze %dma_wait3A_181 : memref<1x40xi32, #tpu.memory_space<vmem>> -> memref<40xi32, #tpu.memory_space<vmem>>
      %dma_wait3A_183 = arith.constant 0 : i32
      %dma_wait3A_184 = arith.constant 0 : i32
      %dma_wait3A_185 = tpu.memref_slice %arg4[%dma_wait3A_183, %dma_wait3A_184] : memref<10000x128xi32, #tpu.memory_space<hbm>> -> memref<10000x128xi32, #tpu.memory_space<hbm>>
      tpu.wait_indirect_dma semaphore(%arg16 : memref<!tpu.dma_semaphore, #tpu.memory_space<semaphore_mem>>) src(%dma_wait3A_185 : memref<10000x128xi32, #tpu.memory_space<hbm>>) dst(%arg12 : memref<40x128xi32, #tpu.memory_space<vmem>>)
      %scan3A_186 = arith.constant 0 : i32
      %scan3A_187 = arith.constant 0 : i32
      %scan3A_188 = arith.constant 40 : i32
      %scan3A_189 = arith.addi %scan3A_187, %scan3A_188 : i32
      %scan3A_190 = arith.constant 1 : i32
      %scan3A_191 = scf.for %scan3A_201 = %scan3A_187 to %scan3A_189 step %scan3A_190 iter_args(%scan3A_202 = %scan3A_186) -> (i32)  : i32 {
        %get3A = arith.index_cast %scan3A_201 : i32 to index
        %get3A_203 = arith.constant 0 : index
        %get3A_204 = tpu.vector_load %arg11[%get3A, %get3A_203] {strides = array<i32>} : memref<40x64xi32, #tpu.memory_space<vmem>>, vector<16xi32>,
        %bitcast3A = vector.bitcast %get3A_204 : vector<16xi32> to vector<32xbf16>
        %unpack3A = tpu.unpack_subelements %bitcast3A, 0 {pack_format = #tpu.pack_format<interleaved>} : vector<32xbf16> -> vector<16xf32>
        %unpack3A_205 = tpu.unpack_subelements %bitcast3A, 1 {pack_format = #tpu.pack_format<interleaved>} : vector<32xbf16> -> vector<16xf32>
        %get3A_206 = arith.index_cast %scan3A_201 : i32 to index
        %get3A_207 = arith.constant 0 : index
        %get3A_208 = tpu.vector_load %arg12[%get3A_206, %get3A_207] {strides = array<i32>} : memref<40x128xi32, #tpu.memory_space<vmem>>, vector<16xi32>,
        %bitcast3A_209 = vector.bitcast %get3A_208 : vector<16xi32> to vector<32xbf16>
        %unpack3A_210 = tpu.unpack_subelements %bitcast3A_209, 0 {pack_format = #tpu.pack_format<interleaved>} : vector<32xbf16> -> vector<16xf32>
        %unpack3A_211 = tpu.unpack_subelements %bitcast3A_209, 1 {pack_format = #tpu.pack_format<interleaved>} : vector<32xbf16> -> vector<16xf32>
        %mul3A_212 = arith.mulf %unpack3A, %unpack3A_210 : vector<16xf32>
        %mul3A_213 = arith.mulf %unpack3A_205, %unpack3A_211 : vector<16xf32>
        %add3A_214 = arith.addf %mul3A_212, %mul3A_213 : vector<16xf32>
        %get3A_215 = arith.index_cast %scan3A_201 : i32 to index
        %get3A_216 = arith.constant 16 : index
        %get3A_217 = tpu.vector_load %arg11[%get3A_215, %get3A_216] {strides = array<i32>} : memref<40x64xi32, #tpu.memory_space<vmem>>, vector<16xi32>,
        %bitcast3A_218 = vector.bitcast %get3A_217 : vector<16xi32> to vector<32xbf16>
        %unpack3A_219 = tpu.unpack_subelements %bitcast3A_218, 0 {pack_format = #tpu.pack_format<interleaved>} : vector<32xbf16> -> vector<16xf32>
        %unpack3A_220 = tpu.unpack_subelements %bitcast3A_218, 1 {pack_format = #tpu.pack_format<interleaved>} : vector<32xbf16> -> vector<16xf32>
        %get3A_221 = arith.index_cast %scan3A_201 : i32 to index
        %get3A_222 = arith.constant 16 : index
        %get3A_223 = tpu.vector_load %arg12[%get3A_221, %get3A_222] {strides = array<i32>} : memref<40x128xi32, #tpu.memory_space<vmem>>, vector<16xi32>,
        %bitcast3A_224 = vector.bitcast %get3A_223 : vector<16xi32> to vector<32xbf16>
        %unpack3A_225 = tpu.unpack_subelements %bitcast3A_224, 0 {pack_format = #tpu.pack_format<interleaved>} : vector<32xbf16> -> vector<16xf32>
        %unpack3A_226 = tpu.unpack_subelements %bitcast3A_224, 1 {pack_format = #tpu.pack_format<interleaved>} : vector<32xbf16> -> vector<16xf32>
        %mul3A_227 = arith.mulf %unpack3A_219, %unpack3A_225 : vector<16xf32>
        %mul3A_228 = arith.mulf %unpack3A_220, %unpack3A_226 : vector<16xf32>
        %add3A_229 = arith.addf %mul3A_227, %mul3A_228 : vector<16xf32>
        %add3A_230 = arith.addf %add3A_214, %add3A_229 : vector<16xf32>
        %get3A_231 = arith.index_cast %scan3A_201 : i32 to index
        %get3A_232 = arith.constant 32 : index
        %get3A_233 = tpu.vector_load %arg11[%get3A_231, %get3A_232] {strides = array<i32>} : memref<40x64xi32, #tpu.memory_space<vmem>>, vector<16xi32>,
        %bitcast3A_234 = vector.bitcast %get3A_233 : vector<16xi32> to vector<32xbf16>
        %unpack3A_235 = tpu.unpack_subelements %bitcast3A_234, 0 {pack_format = #tpu.pack_format<interleaved>} : vector<32xbf16> -> vector<16xf32>
        %unpack3A_236 = tpu.unpack_subelements %bitcast3A_234, 1 {pack_format = #tpu.pack_format<interleaved>} : vector<32xbf16> -> vector<16xf32>
        %get3A_237 = arith.index_cast %scan3A_201 : i32 to index
        %get3A_238 = arith.constant 32 : index
        %get3A_239 = tpu.vector_load %arg12[%get3A_237, %get3A_238] {strides = array<i32>} : memref<40x128xi32, #tpu.memory_space<vmem>>, vector<16xi32>,
        %bitcast3A_240 = vector.bitcast %get3A_239 : vector<16xi32> to vector<32xbf16>
        %unpack3A_241 = tpu.unpack_subelements %bitcast3A_240, 0 {pack_format = #tpu.pack_format<interleaved>} : vector<32xbf16> -> vector<16xf32>
        %unpack3A_242 = tpu.unpack_subelements %bitcast3A_240, 1 {pack_format = #tpu.pack_format<interleaved>} : vector<32xbf16> -> vector<16xf32>
        %mul3A_243 = arith.mulf %unpack3A_235, %unpack3A_241 : vector<16xf32>
        %mul3A_244 = arith.mulf %unpack3A_236, %unpack3A_242 : vector<16xf32>
        %add3A_245 = arith.addf %mul3A_243, %mul3A_244 : vector<16xf32>
        %add3A_246 = arith.addf %add3A_230, %add3A_245 : vector<16xf32>
        %get3A_247 = arith.index_cast %scan3A_201 : i32 to index
        %get3A_248 = arith.constant 48 : index
        %get3A_249 = tpu.vector_load %arg11[%get3A_247, %get3A_248] {strides = array<i32>} : memref<40x64xi32, #tpu.memory_space<vmem>>, vector<16xi32>,
        %bitcast3A_250 = vector.bitcast %get3A_249 : vector<16xi32> to vector<32xbf16>
        %unpack3A_251 = tpu.unpack_subelements %bitcast3A_250, 0 {pack_format = #tpu.pack_format<interleaved>} : vector<32xbf16> -> vector<16xf32>
        %unpack3A_252 = tpu.unpack_subelements %bitcast3A_250, 1 {pack_format = #tpu.pack_format<interleaved>} : vector<32xbf16> -> vector<16xf32>
        %get3A_253 = arith.index_cast %scan3A_201 : i32 to index
        %get3A_254 = arith.constant 48 : index
        %get3A_255 = tpu.vector_load %arg12[%get3A_253, %get3A_254] {strides = array<i32>} : memref<40x128xi32, #tpu.memory_space<vmem>>, vector<16xi32>,
        %bitcast3A_256 = vector.bitcast %get3A_255 : vector<16xi32> to vector<32xbf16>
        %unpack3A_257 = tpu.unpack_subelements %bitcast3A_256, 0 {pack_format = #tpu.pack_format<interleaved>} : vector<32xbf16> -> vector<16xf32>
        %unpack3A_258 = tpu.unpack_subelements %bitcast3A_256, 1 {pack_format = #tpu.pack_format<interleaved>} : vector<32xbf16> -> vector<16xf32>
        %mul3A_259 = arith.mulf %unpack3A_251, %unpack3A_257 : vector<16xf32>
        %mul3A_260 = arith.mulf %unpack3A_252, %unpack3A_258 : vector<16xf32>
        %add3A_261 = arith.addf %mul3A_259, %mul3A_260 : vector<16xf32>
        %add3A_262 = arith.addf %add3A_246, %add3A_261 : vector<16xf32>
        %masked_sort3A = arith.constant dense<true> : vector<16xi1>
        %masked_sort3A_263 = arith.constant -2147483648 : i32
        %masked_sort3A_264 = vector.broadcast %masked_sort3A_263 : i32 to vector<16xi32>
        %masked_sort3A_265 = arith.xori %xor3A_74, %masked_sort3A_264 : vector<16xi32>
        %masked_sort3A_266, %masked_sort3A_267, %masked_sort3A_268 = tpu.sort %masked_sort3A_265, %add3A_262 masked %masked_sort3A : (vector<16xi32>, vector<16xf32>, vector<16xi1>) -> (vector<16xi1>, vector<16xi32>, vector<16xf32>)
        %masked_sort3A_269 = arith.xori %masked_sort3A_267, %masked_sort3A_264 : vector<16xi32>
        %add3A_270 = arith.addf %add3A_262, %masked_sort3A_268 : vector<16xf32>
        %exp3A = math.exp %add3A_270 : vector<16xf32>
        %broadcast_in_dim3A_271 = vector.broadcast %scan3A_201 : i32 to vector<16xi32>
        %iota3A_272 = tpu.iota {dimensions = array<i32: 0>} : vector<16xi32>
        %add3A_273 = arith.constant 128 : i32
        %add3A_274 = vector.broadcast %add3A_273 : i32 to vector<16xi32>
        %add3A_275 = arith.addi %iota3A_272, %add3A_274 : vector<16xi32>
        tpu.vector_store_idx %arg13[%broadcast_in_dim3A_271, %add3A_275], %exp3A masked %lt3A_77 : memref<40x136xf32, #tpu.memory_space<vmem>>[vector<16xi32>, vector<16xi32>], vector<16xf32>, vector<16xi1>
        %get3A_276 = arith.index_cast %scan3A_201 : i32 to index
        %get3A_277 = arith.constant 64 : index
        %get3A_278 = tpu.vector_load %arg12[%get3A_276, %get3A_277] {strides = array<i32>} : memref<40x128xi32, #tpu.memory_space<vmem>>, vector<16xi32>,
        %bitcast3A_279 = vector.bitcast %get3A_278 : vector<16xi32> to vector<32xbf16>
        %unpack3A_280 = tpu.unpack_subelements %bitcast3A_279, 0 {pack_format = #tpu.pack_format<interleaved>} : vector<32xbf16> -> vector<16xf32>
        %unpack3A_281 = tpu.unpack_subelements %bitcast3A_279, 1 {pack_format = #tpu.pack_format<interleaved>} : vector<32xbf16> -> vector<16xf32>
        %mul3A_282 = arith.mulf %exp3A, %unpack3A_280 : vector<16xf32>
        %swap3A = arith.index_cast %scan3A_201 : i32 to index
        %swap3A_283 = arith.constant 0 : index
        %swap3A_284 = tpu.vector_load %arg13[%swap3A, %swap3A_283] {strides = array<i32>} : memref<40x136xf32, #tpu.memory_space<vmem>>, vector<16xf32>,
        tpu.vector_store %arg13[%swap3A, %swap3A_283], %mul3A_282 {strides = array<i32>} : memref<40x136xf32, #tpu.memory_space<vmem>>, vector<16xf32>,
        %mul3A_285 = arith.mulf %exp3A, %unpack3A_281 : vector<16xf32>
        %swap3A_286 = arith.index_cast %scan3A_201 : i32 to index
        %swap3A_287 = arith.constant 16 : index
        %swap3A_288 = tpu.vector_load %arg13[%swap3A_286, %swap3A_287] {strides = array<i32>} : memref<40x136xf32, #tpu.memory_space<vmem>>, vector<16xf32>,
        tpu.vector_store %arg13[%swap3A_286, %swap3A_287], %mul3A_285 {strides = array<i32>} : memref<40x136xf32, #tpu.memory_space<vmem>>, vector<16xf32>,
        %get3A_289 = arith.index_cast %scan3A_201 : i32 to index
        %get3A_290 = arith.constant 80 : index
        %get3A_291 = tpu.vector_load %arg12[%get3A_289, %get3A_290] {strides = array<i32>} : memref<40x128xi32, #tpu.memory_space<vmem>>, vector<16xi32>,
        %bitcast3A_292 = vector.bitcast %get3A_291 : vector<16xi32> to vector<32xbf16>
        %unpack3A_293 = tpu.unpack_subelements %bitcast3A_292, 0 {pack_format = #tpu.pack_format<interleaved>} : vector<32xbf16> -> vector<16xf32>
        %unpack3A_294 = tpu.unpack_subelements %bitcast3A_292, 1 {pack_format = #tpu.pack_format<interleaved>} : vector<32xbf16> -> vector<16xf32>
        %mul3A_295 = arith.mulf %exp3A, %unpack3A_293 : vector<16xf32>
        %swap3A_296 = arith.index_cast %scan3A_201 : i32 to index
        %swap3A_297 = arith.constant 32 : index
        %swap3A_298 = tpu.vector_load %arg13[%swap3A_296, %swap3A_297] {strides = array<i32>} : memref<40x136xf32, #tpu.memory_space<vmem>>, vector<16xf32>,
        tpu.vector_store %arg13[%swap3A_296, %swap3A_297], %mul3A_295 {strides = array<i32>} : memref<40x136xf32, #tpu.memory_space<vmem>>, vector<16xf32>,
        %mul3A_299 = arith.mulf %exp3A, %unpack3A_294 : vector<16xf32>
        %swap3A_300 = arith.index_cast %scan3A_201 : i32 to index
        %swap3A_301 = arith.constant 48 : index
        %swap3A_302 = tpu.vector_load %arg13[%swap3A_300, %swap3A_301] {strides = array<i32>} : memref<40x136xf32, #tpu.memory_space<vmem>>, vector<16xf32>,
        tpu.vector_store %arg13[%swap3A_300, %swap3A_301], %mul3A_299 {strides = array<i32>} : memref<40x136xf32, #tpu.memory_space<vmem>>, vector<16xf32>,
        %get3A_303 = arith.index_cast %scan3A_201 : i32 to index
        %get3A_304 = arith.constant 96 : index
        %get3A_305 = tpu.vector_load %arg12[%get3A_303, %get3A_304] {strides = array<i32>} : memref<40x128xi32, #tpu.memory_space<vmem>>, vector<16xi32>,
        %bitcast3A_306 = vector.bitcast %get3A_305 : vector<16xi32> to vector<32xbf16>
        %unpack3A_307 = tpu.unpack_subelements %bitcast3A_306, 0 {pack_format = #tpu.pack_format<interleaved>} : vector<32xbf16> -> vector<16xf32>
        %unpack3A_308 = tpu.unpack_subelements %bitcast3A_306, 1 {pack_format = #tpu.pack_format<interleaved>} : vector<32xbf16> -> vector<16xf32>
        %mul3A_309 = arith.mulf %exp3A, %unpack3A_307 : vector<16xf32>
        %swap3A_310 = arith.index_cast %scan3A_201 : i32 to index
        %swap3A_311 = arith.constant 64 : index
        %swap3A_312 = tpu.vector_load %arg13[%swap3A_310, %swap3A_311] {strides = array<i32>} : memref<40x136xf32, #tpu.memory_space<vmem>>, vector<16xf32>,
        tpu.vector_store %arg13[%swap3A_310, %swap3A_311], %mul3A_309 {strides = array<i32>} : memref<40x136xf32, #tpu.memory_space<vmem>>, vector<16xf32>,
        %mul3A_313 = arith.mulf %exp3A, %unpack3A_308 : vector<16xf32>
        %swap3A_314 = arith.index_cast %scan3A_201 : i32 to index
        %swap3A_315 = arith.constant 80 : index
        %swap3A_316 = tpu.vector_load %arg13[%swap3A_314, %swap3A_315] {strides = array<i32>} : memref<40x136xf32, #tpu.memory_space<vmem>>, vector<16xf32>,
        tpu.vector_store %arg13[%swap3A_314, %swap3A_315], %mul3A_313 {strides = array<i32>} : memref<40x136xf32, #tpu.memory_space<vmem>>, vector<16xf32>,
        %get3A_317 = arith.index_cast %scan3A_201 : i32 to index
        %get3A_318 = arith.constant 112 : index
        %get3A_319 = tpu.vector_load %arg12[%get3A_317, %get3A_318] {strides = array<i32>} : memref<40x128xi32, #tpu.memory_space<vmem>>, vector<16xi32>,
        %bitcast3A_320 = vector.bitcast %get3A_319 : vector<16xi32> to vector<32xbf16>
        %unpack3A_321 = tpu.unpack_subelements %bitcast3A_320, 0 {pack_format = #tpu.pack_format<interleaved>} : vector<32xbf16> -> vector<16xf32>
        %unpack3A_322 = tpu.unpack_subelements %bitcast3A_320, 1 {pack_format = #tpu.pack_format<interleaved>} : vector<32xbf16> -> vector<16xf32>
        %mul3A_323 = arith.mulf %exp3A, %unpack3A_321 : vector<16xf32>
        %swap3A_324 = arith.index_cast %scan3A_201 : i32 to index
        %swap3A_325 = arith.constant 96 : index
        %swap3A_326 = tpu.vector_load %arg13[%swap3A_324, %swap3A_325] {strides = array<i32>} : memref<40x136xf32, #tpu.memory_space<vmem>>, vector<16xf32>,
        tpu.vector_store %arg13[%swap3A_324, %swap3A_325], %mul3A_323 {strides = array<i32>} : memref<40x136xf32, #tpu.memory_space<vmem>>, vector<16xf32>,
        %mul3A_327 = arith.mulf %exp3A, %unpack3A_322 : vector<16xf32>
        %swap3A_328 = arith.index_cast %scan3A_201 : i32 to index
        %swap3A_329 = arith.constant 112 : index
        %swap3A_330 = tpu.vector_load %arg13[%swap3A_328, %swap3A_329] {strides = array<i32>} : memref<40x136xf32, #tpu.memory_space<vmem>>, vector<16xf32>,
        tpu.vector_store %arg13[%swap3A_328, %swap3A_329], %mul3A_327 {strides = array<i32>} : memref<40x136xf32, #tpu.memory_space<vmem>>, vector<16xf32>,
        %scan3A_331 = arith.constant 0 : i32
        scf.yield %scan3A_331 : i32
      }
      %scan3A_192 = arith.constant 40 : i32
      %dma_start3A_193 = arith.constant 0 : i32
      %dma_start3A_194 = arith.constant 0 : i32
      %dma_start3A_195 = tpu.memref_slice %arg10[%dma_start3A_193, %dma_start3A_194] : memref<2x40xi32, #tpu.memory_space<vmem>> -> memref<1x40xi32, #tpu.memory_space<vmem>>
      %dma_start3A_196 = tpu.memref_squeeze %dma_start3A_195 : memref<1x40xi32, #tpu.memory_space<vmem>> -> memref<40xi32, #tpu.memory_space<vmem>>
      %dma_start3A_197 = arith.constant 0 : i32
      %dma_start3A_198 = arith.constant 0 : i32
      %dma_start3A_199 = tpu.memref_slice %arg14[%dma_start3A_197, %dma_start3A_198] : memref<10240x136xf32, #tpu.memory_space<vmem_shared>> -> memref<10240x136xf32, #tpu.memory_space<vmem_shared>>
      tpu.enqueue_indirect_dma source(%arg13 : memref<40x136xf32, #tpu.memory_space<vmem>>) target(%dma_start3A_199 : memref<10240x136xf32, #tpu.memory_space<vmem_shared>>) offsets(%dma_start3A_196 : memref<40xi32, #tpu.memory_space<vmem>>) semaphore(%arg18 : memref<!tpu.dma_semaphore, #tpu.memory_space<semaphore_mem>>) {add = true}
      %scan3A_200 = arith.constant 0 : i32
      scf.yield %scan3A_200 : i32
    }
    %scan3A_103 = arith.constant 125 : i32
    %dma_wait3A = arith.constant 0 : i32
    %dma_wait3A_104 = arith.constant 0 : i32
    %dma_wait3A_105 = tpu.memref_slice %arg10[%dma_wait3A, %dma_wait3A_104] : memref<2x40xi32, #tpu.memory_space<vmem>> -> memref<1x40xi32, #tpu.memory_space<vmem>>
    %dma_wait3A_106 = tpu.memref_squeeze %dma_wait3A_105 : memref<1x40xi32, #tpu.memory_space<vmem>> -> memref<40xi32, #tpu.memory_space<vmem>>
    %dma_wait3A_107 = arith.constant 0 : i32
    %dma_wait3A_108 = arith.constant 0 : i32
    %dma_wait3A_109 = tpu.memref_slice %arg14[%dma_wait3A_107, %dma_wait3A_108] : memref<10240x136xf32, #tpu.memory_space<vmem_shared>> -> memref<10240x136xf32, #tpu.memory_space<vmem_shared>>
    tpu.wait_indirect_dma semaphore(%arg18 : memref<!tpu.dma_semaphore, #tpu.memory_space<semaphore_mem>>) src(%arg13 : memref<40x136xf32, #tpu.memory_space<vmem>>) dst(%dma_wait3A_109 : memref<10240x136xf32, #tpu.memory_space<vmem_shared>>)
    %barrier3A_110 = arith.constant 0 : index
    tpu.barrier barrier_id(%barrier3A_110)
    %mul3A_111 = arith.constant 640 : i32
    %mul3A_112 = arith.muli %arg1, %mul3A_111 : i32
    %mul3A_113 = arith.constant 640 : i32
    %mul3A_114 = arith.muli %arg1, %mul3A_113 : i32
    "tpu.region"() ({
      %run_scoped3A = tpu.sem_alloc : memref<!tpu.dma_semaphore, #tpu.memory_space<semaphore_mem>>
      %dma_start3A_115 = arith.constant 0 : i32
      %dma_start3A_116 = tpu.memref_slice %arg5[%arg0, %mul3A_114, %dma_start3A_115] : memref<2x10240x136xf32, #tpu.memory_space<hbm>> -> memref<1x640x136xf32, #tpu.memory_space<hbm>>
      %dma_start3A_117 = tpu.memref_squeeze %dma_start3A_116 : memref<1x640x136xf32, #tpu.memory_space<hbm>> -> memref<640x136xf32, #tpu.memory_space<hbm>>
      %dma_start3A_118 = arith.constant 0 : i32
      %dma_start3A_119 = tpu.memref_slice %arg14[%mul3A_112, %dma_start3A_118] : memref<10240x136xf32, #tpu.memory_space<vmem_shared>> -> memref<640x136xf32, #tpu.memory_space<vmem_shared>>
      tpu.enqueue_dma source(%dma_start3A_119 : memref<640x136xf32, #tpu.memory_space<vmem_shared>>) target(%dma_start3A_117 : memref<640x136xf32, #tpu.memory_space<hbm>>) target_semaphore(%run_scoped3A : memref<!tpu.dma_semaphore, #tpu.memory_space<semaphore_mem>>)
      %dma_wait3A_120 = arith.constant 0 : i32
      %dma_wait3A_121 = tpu.memref_slice %arg5[%arg0, %mul3A_114, %dma_wait3A_120] : memref<2x10240x136xf32, #tpu.memory_space<hbm>> -> memref<1x640x136xf32, #tpu.memory_space<hbm>>
      %dma_wait3A_122 = tpu.memref_squeeze %dma_wait3A_121 : memref<1x640x136xf32, #tpu.memory_space<hbm>> -> memref<640x136xf32, #tpu.memory_space<hbm>>
      %dma_wait3A_123 = arith.constant 0 : i32
      %dma_wait3A_124 = tpu.memref_slice %arg14[%mul3A_112, %dma_wait3A_123] : memref<10240x136xf32, #tpu.memory_space<vmem_shared>> -> memref<640x136xf32, #tpu.memory_space<vmem_shared>>
      tpu.wait_dma2 semaphore(%run_scoped3A : memref<!tpu.dma_semaphore, #tpu.memory_space<semaphore_mem>>) src(%dma_wait3A_124 : memref<640x136xf32, #tpu.memory_space<vmem_shared>>) dst(%dma_wait3A_122 : memref<640x136xf32, #tpu.memory_space<hbm>>)
      tpu.yield
    }) : () -> ()
    return
  }
}

module attributes {stable_mosaic.version = 14 : i64} {
  func.func @_qkv_body(%arg0: memref<10000x128xf32, #tpu.memory_space<vmem>>, %arg1: memref<128x128xf32, #tpu.memory_space<vmem>>, %arg2: memref<1x128xf32, #tpu.memory_space<vmem>>, %arg3: memref<128x128xf32, #tpu.memory_space<vmem>>, %arg4: memref<1x128xf32, #tpu.memory_space<vmem>>, %arg5: memref<128x128xf32, #tpu.memory_space<vmem>>, %arg6: memref<1x128xf32, #tpu.memory_space<vmem>>, %arg7: memref<10000x128xbf16, #tpu.memory_space<vmem>>, %arg8: memref<10000x128xbf16, #tpu.memory_space<vmem>>, %arg9: memref<10000x128xbf16, #tpu.memory_space<vmem>>) attributes {dimension_semantics = [], scalar_prefetch = 0 : i64, scratch_operands = 0 : i64, tpu.core_type = #tpu.core_type<tc>} {
    %get3A = arith.constant 0 : index
    %get3A_0 = arith.constant 0 : index
    %get3A_1 = vector.load %arg0[%get3A, %get3A_0] : memref<10000x128xf32, #tpu.memory_space<vmem>>, vector<10000x128xf32>
    %get3A_2 = arith.constant 0 : index
    %get3A_3 = arith.constant 0 : index
    %get3A_4 = vector.load %arg1[%get3A_2, %get3A_3] : memref<128x128xf32, #tpu.memory_space<vmem>>, vector<128x128xf32>
    %dot_general3A = arith.constant dense<0.000000e+00> : vector<10000x128xf32>
    %dot_general3A_5 = tpu.matmul %get3A_1, %get3A_4, %dot_general3A {dimension_numbers = #tpu.dot_dimension_numbers<[1], [0], [0], [1], [0, 0, 1, 1], [], []>, transpose_lhs_hint = false} : vector<10000x128xf32>, vector<128x128xf32>, vector<10000x128xf32> -> vector<10000x128xf32>
    %get3A_6 = arith.constant 0 : index
    %get3A_7 = arith.constant 0 : index
    %get3A_8 = vector.load %arg2[%get3A_6, %get3A_7] : memref<1x128xf32, #tpu.memory_space<vmem>>, vector<1x128xf32>
    %add3A = vector.broadcast %get3A_8 : vector<1x128xf32> to vector<10000x128xf32>
    %add3A_9 = arith.addf %dot_general3A_5, %add3A : vector<10000x128xf32>
    %mul3A = arith.constant 2.500000e-01 : f32
    %mul3A_10 = vector.broadcast %mul3A : f32 to vector<10000x128xf32>
    %mul3A_11 = arith.mulf %add3A_9, %mul3A_10 : vector<10000x128xf32>
    %get3A_12 = arith.constant 0 : index
    %get3A_13 = arith.constant 0 : index
    %get3A_14 = vector.load %arg3[%get3A_12, %get3A_13] : memref<128x128xf32, #tpu.memory_space<vmem>>, vector<128x128xf32>
    %dot_general3A_15 = arith.constant dense<0.000000e+00> : vector<10000x128xf32>
    %dot_general3A_16 = tpu.matmul %get3A_1, %get3A_14, %dot_general3A_15 {dimension_numbers = #tpu.dot_dimension_numbers<[1], [0], [0], [1], [0, 0, 1, 1], [], []>, transpose_lhs_hint = false} : vector<10000x128xf32>, vector<128x128xf32>, vector<10000x128xf32> -> vector<10000x128xf32>
    %get3A_17 = arith.constant 0 : index
    %get3A_18 = arith.constant 0 : index
    %get3A_19 = vector.load %arg4[%get3A_17, %get3A_18] : memref<1x128xf32, #tpu.memory_space<vmem>>, vector<1x128xf32>
    %add3A_20 = vector.broadcast %get3A_19 : vector<1x128xf32> to vector<10000x128xf32>
    %add3A_21 = arith.addf %dot_general3A_16, %add3A_20 : vector<10000x128xf32>
    %get3A_22 = arith.constant 0 : index
    %get3A_23 = arith.constant 0 : index
    %get3A_24 = vector.load %arg5[%get3A_22, %get3A_23] : memref<128x128xf32, #tpu.memory_space<vmem>>, vector<128x128xf32>
    %dot_general3A_25 = arith.constant dense<0.000000e+00> : vector<10000x128xf32>
    %dot_general3A_26 = tpu.matmul %get3A_1, %get3A_24, %dot_general3A_25 {dimension_numbers = #tpu.dot_dimension_numbers<[1], [0], [0], [1], [0, 0, 1, 1], [], []>, transpose_lhs_hint = false} : vector<10000x128xf32>, vector<128x128xf32>, vector<10000x128xf32> -> vector<10000x128xf32>
    %get3A_27 = arith.constant 0 : index
    %get3A_28 = arith.constant 0 : index
    %get3A_29 = vector.load %arg6[%get3A_27, %get3A_28] : memref<1x128xf32, #tpu.memory_space<vmem>>, vector<1x128xf32>
    %add3A_30 = vector.broadcast %get3A_29 : vector<1x128xf32> to vector<10000x128xf32>
    %add3A_31 = arith.addf %dot_general3A_26, %add3A_30 : vector<10000x128xf32>
    %convert_element_type3A = arith.truncf %mul3A_11 : vector<10000x128xf32> to vector<10000x128xbf16>
    %swap3A = arith.constant 0 : index
    %swap3A_32 = arith.constant 0 : index
    %swap3A_33 = vector.load %arg7[%swap3A, %swap3A_32] : memref<10000x128xbf16, #tpu.memory_space<vmem>>, vector<10000x128xbf16>
    tpu.vector_store %arg7[%swap3A, %swap3A_32], %convert_element_type3A {strides = array<i32>} : memref<10000x128xbf16, #tpu.memory_space<vmem>>, vector<10000x128xbf16>,
    %convert_element_type3A_34 = arith.truncf %add3A_21 : vector<10000x128xf32> to vector<10000x128xbf16>
    %swap3A_35 = arith.constant 0 : index
    %swap3A_36 = arith.constant 0 : index
    %swap3A_37 = vector.load %arg8[%swap3A_35, %swap3A_36] : memref<10000x128xbf16, #tpu.memory_space<vmem>>, vector<10000x128xbf16>
    tpu.vector_store %arg8[%swap3A_35, %swap3A_36], %convert_element_type3A_34 {strides = array<i32>} : memref<10000x128xbf16, #tpu.memory_space<vmem>>, vector<10000x128xbf16>,
    %convert_element_type3A_38 = arith.truncf %add3A_31 : vector<10000x128xf32> to vector<10000x128xbf16>
    %swap3A_39 = arith.constant 0 : index
    %swap3A_40 = arith.constant 0 : index
    %swap3A_41 = vector.load %arg9[%swap3A_39, %swap3A_40] : memref<10000x128xbf16, #tpu.memory_space<vmem>>, vector<10000x128xbf16>
    tpu.vector_store %arg9[%swap3A_39, %swap3A_40], %convert_element_type3A_38 {strides = array<i32>} : memref<10000x128xbf16, #tpu.memory_space<vmem>>, vector<10000x128xbf16>,
    return
  }
}

module attributes {stable_mosaic.version = 14 : i64} {
  func.func @_mha_body(%arg0: i32, %arg1: memref<2x2000x136xf32, #tpu.memory_space<vmem>>, %arg2: memref<2000x128xf32, #tpu.memory_space<vmem>>, %arg3: memref<128x128xf32, #tpu.memory_space<vmem>>, %arg4: memref<1x128xf32, #tpu.memory_space<vmem>>, %arg5: memref<2000x128xf32, #tpu.memory_space<vmem>>, %arg6: memref<8x128xf32, #tpu.memory_space<vmem>>, %arg7: memref<8x128xf32, #tpu.memory_space<vmem>>) attributes {dimension_semantics = [#tpu.dimension_semantics<arbitrary>], iteration_bounds = array<i64: 5>, scalar_prefetch = 0 : i64, scratch_operands = 1 : i64, tpu.core_type = #tpu.core_type<tc>, window_params = [{transform_indices = @transform_0, window_bounds = array<i64: 2, 2000, 136>}, {transform_indices = @transform_1, window_bounds = array<i64: 2000, 128>}, {pipeline_mode = #tpu.pipeline_mode<synchronous>, transform_indices = @transform_2, window_bounds = array<i64: 128, 128>}, {pipeline_mode = #tpu.pipeline_mode<synchronous>, transform_indices = @transform_3, window_bounds = array<i64: 1, 128>}, {transform_indices = @transform_4, window_bounds = array<i64: 2000, 128>}, {pipeline_mode = #tpu.pipeline_mode<synchronous>, transform_indices = @transform_5, window_bounds = array<i64: 8, 128>}]} {
    %get3A = arith.constant 0 : index
    %get3A_0 = arith.constant 0 : index
    %get3A_1 = arith.constant 0 : index
    %get3A_2 = vector.load %arg1[%get3A, %get3A_0, %get3A_1] : memref<2x2000x136xf32, #tpu.memory_space<vmem>>, vector<1x2000x136xf32>
    %get3A_3 = vector.shape_cast %get3A_2 : vector<1x2000x136xf32> to vector<2000x136xf32>
    %get3A_4 = arith.constant 1 : index
    %get3A_5 = arith.constant 0 : index
    %get3A_6 = arith.constant 0 : index
    %get3A_7 = vector.load %arg1[%get3A_4, %get3A_5, %get3A_6] : memref<2x2000x136xf32, #tpu.memory_space<vmem>>, vector<1x2000x136xf32>
    %get3A_8 = vector.shape_cast %get3A_7 : vector<1x2000x136xf32> to vector<2000x136xf32>
    %slice3A = vector.extract_strided_slice %get3A_3 {offsets = [0, 0], sizes = [2000, 128], strides = [1, 1]} : vector<2000x136xf32> to vector<2000x128xf32>
    %slice3A_9 = vector.extract_strided_slice %get3A_8 {offsets = [0, 0], sizes = [2000, 128], strides = [1, 1]} : vector<2000x136xf32> to vector<2000x128xf32>
    %add3A = arith.addf %slice3A, %slice3A_9 : vector<2000x128xf32>
    %slice3A_10 = vector.extract_strided_slice %get3A_3 {offsets = [0, 128], sizes = [2000, 8], strides = [1, 1]} : vector<2000x136xf32> to vector<2000x8xf32>
    %slice3A_11 = vector.extract_strided_slice %get3A_8 {offsets = [0, 128], sizes = [2000, 8], strides = [1, 1]} : vector<2000x136xf32> to vector<2000x8xf32>
    %add3A_12 = arith.addf %slice3A_10, %slice3A_11 : vector<2000x8xf32>
    %max3A = arith.constant 1.000000e-30 : f32
    %max3A_13 = vector.broadcast %max3A : f32 to vector<2000x8xf32>
    %max3A_14 = arith.maximumf %add3A_12, %max3A_13 : vector<2000x8xf32>
    %div3A = arith.constant 1.000000e+00 : f32
    %div3A_15 = vector.broadcast %div3A : f32 to vector<2000x8xf32>
    %div3A_16 = arith.divf %div3A_15, %max3A_14 : vector<2000x8xf32>
    %tile3A = tpu.concatenate %div3A_16, %div3A_16, %div3A_16, %div3A_16, %div3A_16, %div3A_16, %div3A_16, %div3A_16, %div3A_16, %div3A_16, %div3A_16, %div3A_16, %div3A_16, %div3A_16, %div3A_16, %div3A_16 in 1 : vector<2000x8xf32>, vector<2000x8xf32>, vector<2000x8xf32>, vector<2000x8xf32>, vector<2000x8xf32>, vector<2000x8xf32>, vector<2000x8xf32>, vector<2000x8xf32>, vector<2000x8xf32>, vector<2000x8xf32>, vector<2000x8xf32>, vector<2000x8xf32>, vector<2000x8xf32>, vector<2000x8xf32>, vector<2000x8xf32>, vector<2000x8xf32> -> vector<2000x128xf32>
    %mul3A = arith.mulf %add3A, %tile3A : vector<2000x128xf32>
    %get3A_17 = arith.constant 0 : index
    %get3A_18 = arith.constant 0 : index
    %get3A_19 = vector.load %arg3[%get3A_17, %get3A_18] : memref<128x128xf32, #tpu.memory_space<vmem>>, vector<128x128xf32>
    %dot_general3A = arith.constant dense<0.000000e+00> : vector<2000x128xf32>
    %dot_general3A_20 = tpu.matmul %mul3A, %get3A_19, %dot_general3A {dimension_numbers = #tpu.dot_dimension_numbers<[1], [0], [0], [1], [0, 0, 1, 1], [], []>, transpose_lhs_hint = false} : vector<2000x128xf32>, vector<128x128xf32>, vector<2000x128xf32> -> vector<2000x128xf32>
    %get3A_21 = arith.constant 0 : index
    %get3A_22 = arith.constant 0 : index
    %get3A_23 = vector.load %arg4[%get3A_21, %get3A_22] : memref<1x128xf32, #tpu.memory_space<vmem>>, vector<1x128xf32>
    %add3A_24 = vector.broadcast %get3A_23 : vector<1x128xf32> to vector<2000x128xf32>
    %add3A_25 = arith.addf %dot_general3A_20, %add3A_24 : vector<2000x128xf32>
    %get3A_26 = arith.constant 0 : index
    %get3A_27 = arith.constant 0 : index
    %get3A_28 = vector.load %arg2[%get3A_26, %get3A_27] : memref<2000x128xf32, #tpu.memory_space<vmem>>, vector<2000x128xf32>
    %add3A_29 = arith.addf %add3A_25, %get3A_28 : vector<2000x128xf32>
    %swap3A = arith.constant 0 : index
    %swap3A_30 = arith.constant 0 : index
    %swap3A_31 = vector.load %arg5[%swap3A, %swap3A_30] : memref<2000x128xf32, #tpu.memory_space<vmem>>, vector<2000x128xf32>
    tpu.vector_store %arg5[%swap3A, %swap3A_30], %add3A_29 {strides = array<i32>} : memref<2000x128xf32, #tpu.memory_space<vmem>>, vector<2000x128xf32>,
    %eq3A = arith.constant 0 : i32
    %eq3A_32 = arith.cmpi eq, %arg0, %eq3A : i32
    %convert_element_type3A = arith.extui %eq3A_32 : i1 to i32
    %cond3A = arith.constant 0 : i32
    %cond3A_33 = arith.cmpi ne, %convert_element_type3A, %cond3A : i32
    scf.if %cond3A_33 {
      %broadcast_in_dim3A_58 = arith.constant 0.000000e+00 : f32
      %broadcast_in_dim3A_59 = vector.broadcast %broadcast_in_dim3A_58 : f32 to vector<8x128xf32>
      %swap3A_60 = arith.constant 0 : index
      %swap3A_61 = arith.constant 0 : index
      %swap3A_62 = vector.load %arg7[%swap3A_60, %swap3A_61] : memref<8x128xf32, #tpu.memory_space<vmem>>, vector<8x128xf32>
      tpu.vector_store %arg7[%swap3A_60, %swap3A_61], %broadcast_in_dim3A_59 {strides = array<i32>} : memref<8x128xf32, #tpu.memory_space<vmem>>, vector<8x128xf32>,
    } else {
    }
    %reduce_sum3A = arith.constant dense<0.000000e+00> : vector<128xf32>
    %reduce_sum3A_34 = vector.multi_reduction <add>, %add3A_29, %reduce_sum3A [0] : vector<2000x128xf32> to vector<128xf32>
    %broadcast_in_dim3A = vector.shape_cast %reduce_sum3A_34 : vector<128xf32> to vector<1x128xf32>
    %mul3A_35 = arith.mulf %add3A_29, %add3A_29 : vector<2000x128xf32>
    %reduce_sum3A_36 = arith.constant dense<0.000000e+00> : vector<128xf32>
    %reduce_sum3A_37 = vector.multi_reduction <add>, %mul3A_35, %reduce_sum3A_36 [0] : vector<2000x128xf32> to vector<128xf32>
    %broadcast_in_dim3A_38 = vector.shape_cast %reduce_sum3A_37 : vector<128xf32> to vector<1x128xf32>
    %get3A_39 = arith.constant 0 : index
    %get3A_40 = arith.constant 0 : index
    %get3A_41 = vector.load %arg7[%get3A_39, %get3A_40] : memref<8x128xf32, #tpu.memory_space<vmem>>, vector<1x128xf32>
    %add3A_42 = arith.addf %get3A_41, %broadcast_in_dim3A : vector<1x128xf32>
    %swap3A_43 = arith.constant 0 : index
    %swap3A_44 = arith.constant 0 : index
    %swap3A_45 = vector.load %arg7[%swap3A_43, %swap3A_44] : memref<8x128xf32, #tpu.memory_space<vmem>>, vector<1x128xf32>
    tpu.vector_store %arg7[%swap3A_43, %swap3A_44], %add3A_42 {strides = array<i32>} : memref<8x128xf32, #tpu.memory_space<vmem>>, vector<1x128xf32>,
    %get3A_46 = arith.constant 1 : index
    %get3A_47 = arith.constant 0 : index
    %get3A_48 = vector.load %arg7[%get3A_46, %get3A_47] : memref<8x128xf32, #tpu.memory_space<vmem>>, vector<1x128xf32>
    %add3A_49 = arith.addf %get3A_48, %broadcast_in_dim3A_38 : vector<1x128xf32>
    %swap3A_50 = arith.constant 1 : index
    %swap3A_51 = arith.constant 0 : index
    %swap3A_52 = vector.load %arg7[%swap3A_50, %swap3A_51] : memref<8x128xf32, #tpu.memory_space<vmem>>, vector<1x128xf32>
    tpu.vector_store %arg7[%swap3A_50, %swap3A_51], %add3A_49 {strides = array<i32>} : memref<8x128xf32, #tpu.memory_space<vmem>>, vector<1x128xf32>,
    %eq3A_53 = arith.constant 4 : i32
    %eq3A_54 = arith.cmpi eq, %arg0, %eq3A_53 : i32
    %convert_element_type3A_55 = arith.extui %eq3A_54 : i1 to i32
    %cond3A_56 = arith.constant 0 : i32
    %cond3A_57 = arith.cmpi ne, %convert_element_type3A_55, %cond3A_56 : i32
    scf.if %cond3A_57 {
      %get3A_58 = arith.constant 0 : index
      %get3A_59 = arith.constant 0 : index
      %get3A_60 = vector.load %arg7[%get3A_58, %get3A_59] : memref<8x128xf32, #tpu.memory_space<vmem>>, vector<8x128xf32>
      %swap3A_61 = arith.constant 0 : index
      %swap3A_62 = arith.constant 0 : index
      %swap3A_63 = vector.load %arg6[%swap3A_61, %swap3A_62] : memref<8x128xf32, #tpu.memory_space<vmem>>, vector<8x128xf32>
      tpu.vector_store %arg6[%swap3A_61, %swap3A_62], %get3A_60 {strides = array<i32>} : memref<8x128xf32, #tpu.memory_space<vmem>>, vector<8x128xf32>,
    } else {
    }
    return
  }
  func.func @transform_0(%arg0: i32) -> (i32, i32, i32) {
    %c0_i32 = arith.constant 0 : i32
    %c0_i32_0 = arith.constant 0 : i32
    %c0_i32_1 = arith.constant 0 : i32
    return %c0_i32, %arg0, %c0_i32_0 : i32, i32, i32
  }
  func.func @transform_1(%arg0: i32) -> (i32, i32) {
    %c0_i32 = arith.constant 0 : i32
    %c0_i32_0 = arith.constant 0 : i32
    return %arg0, %c0_i32 : i32, i32
  }
  func.func @transform_2(%arg0: i32) -> (i32, i32) {
    %c0_i32 = arith.constant 0 : i32
    %c0_i32_0 = arith.constant 0 : i32
    %c0_i32_1 = arith.constant 0 : i32
    return %c0_i32, %c0_i32_0 : i32, i32
  }
  func.func @transform_3(%arg0: i32) -> (i32, i32) {
    %c0_i32 = arith.constant 0 : i32
    %c0_i32_0 = arith.constant 0 : i32
    %c0_i32_1 = arith.constant 0 : i32
    return %c0_i32, %c0_i32_0 : i32, i32
  }
  func.func @transform_4(%arg0: i32) -> (i32, i32) {
    %c0_i32 = arith.constant 0 : i32
    %c0_i32_0 = arith.constant 0 : i32
    return %arg0, %c0_i32 : i32, i32
  }
  func.func @transform_5(%arg0: i32) -> (i32, i32) {
    %c0_i32 = arith.constant 0 : i32
    %c0_i32_0 = arith.constant 0 : i32
    %c0_i32_1 = arith.constant 0 : i32
    return %c0_i32, %c0_i32_0 : i32, i32
  }
}

module attributes {stable_mosaic.version = 14 : i64} {
  func.func @_ffn_body(%arg0: i32, %arg1: memref<2000x128xf32, #tpu.memory_space<vmem>>, %arg2: memref<8x128xf32, #tpu.memory_space<vmem>>, %arg3: memref<128x256xf32, #tpu.memory_space<vmem>>, %arg4: memref<1x256xf32, #tpu.memory_space<vmem>>, %arg5: memref<256x128xf32, #tpu.memory_space<vmem>>, %arg6: memref<1x128xf32, #tpu.memory_space<vmem>>, %arg7: memref<1x128xf32, #tpu.memory_space<vmem>>, %arg8: memref<1x128xf32, #tpu.memory_space<vmem>>, %arg9: memref<2000x128xf32, #tpu.memory_space<vmem>>, %arg10: memref<8x128xf32, #tpu.memory_space<vmem>>, %arg11: memref<8x128xf32, #tpu.memory_space<vmem>>) attributes {dimension_semantics = [#tpu.dimension_semantics<arbitrary>], iteration_bounds = array<i64: 5>, scalar_prefetch = 0 : i64, scratch_operands = 1 : i64, tpu.core_type = #tpu.core_type<tc>, window_params = [{transform_indices = @transform_0, window_bounds = array<i64: 2000, 128>}, {pipeline_mode = #tpu.pipeline_mode<synchronous>, transform_indices = @transform_1, window_bounds = array<i64: 8, 128>}, {pipeline_mode = #tpu.pipeline_mode<synchronous>, transform_indices = @transform_2, window_bounds = array<i64: 128, 256>}, {pipeline_mode = #tpu.pipeline_mode<synchronous>, transform_indices = @transform_3, window_bounds = array<i64: 1, 256>}, {pipeline_mode = #tpu.pipeline_mode<synchronous>, transform_indices = @transform_4, window_bounds = array<i64: 256, 128>}, {pipeline_mode = #tpu.pipeline_mode<synchronous>, transform_indices = @transform_5, window_bounds = array<i64: 1, 128>}, {pipeline_mode = #tpu.pipeline_mode<synchronous>, transform_indices = @transform_6, window_bounds = array<i64: 1, 128>}, {pipeline_mode = #tpu.pipeline_mode<synchronous>, transform_indices = @transform_7, window_bounds = array<i64: 1, 128>}, {transform_indices = @transform_8, window_bounds = array<i64: 2000, 128>}, {pipeline_mode = #tpu.pipeline_mode<synchronous>, transform_indices = @transform_9, window_bounds = array<i64: 8, 128>}]} {
    %get3A = arith.constant 0 : index
    %get3A_0 = arith.constant 0 : index
    %get3A_1 = vector.load %arg1[%get3A, %get3A_0] : memref<2000x128xf32, #tpu.memory_space<vmem>>, vector<2000x128xf32>
    %get3A_2 = arith.constant 0 : index
    %get3A_3 = arith.constant 0 : index
    %get3A_4 = vector.load %arg2[%get3A_2, %get3A_3] : memref<8x128xf32, #tpu.memory_space<vmem>>, vector<8x128xf32>
    %get3A_5 = arith.constant 0 : index
    %get3A_6 = arith.constant 0 : index
    %get3A_7 = vector.load %arg7[%get3A_5, %get3A_6] : memref<1x128xf32, #tpu.memory_space<vmem>>, vector<1x128xf32>
    %get3A_8 = arith.constant 0 : index
    %get3A_9 = arith.constant 0 : index
    %get3A_10 = vector.load %arg8[%get3A_8, %get3A_9] : memref<1x128xf32, #tpu.memory_space<vmem>>, vector<1x128xf32>
    %slice3A = vector.extract_strided_slice %get3A_4 {offsets = [0, 0], sizes = [1, 128], strides = [1, 1]} : vector<8x128xf32> to vector<1x128xf32>
    %mul3A = arith.constant 9.99999974E-5 : f32
    %mul3A_11 = vector.broadcast %mul3A : f32 to vector<1x128xf32>
    %mul3A_12 = arith.mulf %slice3A, %mul3A_11 : vector<1x128xf32>
    %slice3A_13 = vector.extract_strided_slice %get3A_4 {offsets = [1, 0], sizes = [1, 128], strides = [1, 1]} : vector<8x128xf32> to vector<1x128xf32>
    %mul3A_14 = arith.constant 9.99999974E-5 : f32
    %mul3A_15 = vector.broadcast %mul3A_14 : f32 to vector<1x128xf32>
    %mul3A_16 = arith.mulf %slice3A_13, %mul3A_15 : vector<1x128xf32>
    %mul3A_17 = arith.mulf %mul3A_12, %mul3A_12 : vector<1x128xf32>
    %sub3A = arith.subf %mul3A_16, %mul3A_17 : vector<1x128xf32>
    %sub3A_18 = vector.broadcast %mul3A_12 : vector<1x128xf32> to vector<2000x128xf32>
    %sub3A_19 = arith.subf %get3A_1, %sub3A_18 : vector<2000x128xf32>
    %add3A = arith.constant 9.99999974E-6 : f32
    %add3A_20 = vector.broadcast %add3A : f32 to vector<1x128xf32>
    %add3A_21 = arith.addf %sub3A, %add3A_20 : vector<1x128xf32>
    %rsqrt3A = math.rsqrt %add3A_21 : vector<1x128xf32>
    %mul3A_22 = vector.broadcast %rsqrt3A : vector<1x128xf32> to vector<2000x128xf32>
    %mul3A_23 = arith.mulf %sub3A_19, %mul3A_22 : vector<2000x128xf32>
    %mul3A_24 = vector.broadcast %get3A_7 : vector<1x128xf32> to vector<2000x128xf32>
    %mul3A_25 = arith.mulf %mul3A_23, %mul3A_24 : vector<2000x128xf32>
    %add3A_26 = vector.broadcast %get3A_10 : vector<1x128xf32> to vector<2000x128xf32>
    %add3A_27 = arith.addf %mul3A_25, %add3A_26 : vector<2000x128xf32>
    %mul3A_28 = arith.constant 5.000000e-01 : f32
    %mul3A_29 = vector.broadcast %mul3A_28 : f32 to vector<2000x128xf32>
    %mul3A_30 = arith.mulf %mul3A_29, %add3A_27 : vector<2000x128xf32>
    %mul3A_31 = arith.constant 0.707106769 : f32
    %mul3A_32 = vector.broadcast %mul3A_31 : f32 to vector<2000x128xf32>
    %mul3A_33 = arith.mulf %add3A_27, %mul3A_32 : vector<2000x128xf32>
    %erf3A = math.erf %mul3A_33 : vector<2000x128xf32>
    %add3A_34 = arith.constant 1.000000e+00 : f32
    %add3A_35 = vector.broadcast %add3A_34 : f32 to vector<2000x128xf32>
    %add3A_36 = arith.addf %add3A_35, %erf3A : vector<2000x128xf32>
    %mul3A_37 = arith.mulf %mul3A_30, %add3A_36 : vector<2000x128xf32>
    %get3A_38 = arith.constant 0 : index
    %get3A_39 = arith.constant 0 : index
    %get3A_40 = vector.load %arg3[%get3A_38, %get3A_39] : memref<128x256xf32, #tpu.memory_space<vmem>>, vector<128x256xf32>
    %dot_general3A = arith.constant dense<0.000000e+00> : vector<2000x256xf32>
    %dot_general3A_41 = tpu.matmul %mul3A_37, %get3A_40, %dot_general3A {dimension_numbers = #tpu.dot_dimension_numbers<[1], [0], [0], [1], [0, 0, 1, 1], [], []>, transpose_lhs_hint = false} : vector<2000x128xf32>, vector<128x256xf32>, vector<2000x256xf32> -> vector<2000x256xf32>
    %get3A_42 = arith.constant 0 : index
    %get3A_43 = arith.constant 0 : index
    %get3A_44 = vector.load %arg4[%get3A_42, %get3A_43] : memref<1x256xf32, #tpu.memory_space<vmem>>, vector<1x256xf32>
    %add3A_45 = vector.broadcast %get3A_44 : vector<1x256xf32> to vector<2000x256xf32>
    %add3A_46 = arith.addf %dot_general3A_41, %add3A_45 : vector<2000x256xf32>
    %mul3A_47 = arith.constant 5.000000e-01 : f32
    %mul3A_48 = vector.broadcast %mul3A_47 : f32 to vector<2000x256xf32>
    %mul3A_49 = arith.mulf %mul3A_48, %add3A_46 : vector<2000x256xf32>
    %mul3A_50 = arith.constant 0.707106769 : f32
    %mul3A_51 = vector.broadcast %mul3A_50 : f32 to vector<2000x256xf32>
    %mul3A_52 = arith.mulf %add3A_46, %mul3A_51 : vector<2000x256xf32>
    %erf3A_53 = math.erf %mul3A_52 : vector<2000x256xf32>
    %add3A_54 = arith.constant 1.000000e+00 : f32
    %add3A_55 = vector.broadcast %add3A_54 : f32 to vector<2000x256xf32>
    %add3A_56 = arith.addf %add3A_55, %erf3A_53 : vector<2000x256xf32>
    %mul3A_57 = arith.mulf %mul3A_49, %add3A_56 : vector<2000x256xf32>
    %get3A_58 = arith.constant 0 : index
    %get3A_59 = arith.constant 0 : index
    %get3A_60 = vector.load %arg5[%get3A_58, %get3A_59] : memref<256x128xf32, #tpu.memory_space<vmem>>, vector<256x128xf32>
    %dot_general3A_61 = arith.constant dense<0.000000e+00> : vector<2000x128xf32>
    %dot_general3A_62 = tpu.matmul %mul3A_57, %get3A_60, %dot_general3A_61 {dimension_numbers = #tpu.dot_dimension_numbers<[1], [0], [0], [1], [0, 0, 1, 1], [], []>, transpose_lhs_hint = false} : vector<2000x256xf32>, vector<256x128xf32>, vector<2000x128xf32> -> vector<2000x128xf32>
    %get3A_63 = arith.constant 0 : index
    %get3A_64 = arith.constant 0 : index
    %get3A_65 = vector.load %arg6[%get3A_63, %get3A_64] : memref<1x128xf32, #tpu.memory_space<vmem>>, vector<1x128xf32>
    %add3A_66 = vector.broadcast %get3A_65 : vector<1x128xf32> to vector<2000x128xf32>
    %add3A_67 = arith.addf %dot_general3A_62, %add3A_66 : vector<2000x128xf32>
    %add3A_68 = arith.addf %mul3A_37, %add3A_67 : vector<2000x128xf32>
    %swap3A = arith.constant 0 : index
    %swap3A_69 = arith.constant 0 : index
    %swap3A_70 = vector.load %arg9[%swap3A, %swap3A_69] : memref<2000x128xf32, #tpu.memory_space<vmem>>, vector<2000x128xf32>
    tpu.vector_store %arg9[%swap3A, %swap3A_69], %add3A_68 {strides = array<i32>} : memref<2000x128xf32, #tpu.memory_space<vmem>>, vector<2000x128xf32>,
    %eq3A = arith.constant 0 : i32
    %eq3A_71 = arith.cmpi eq, %arg0, %eq3A : i32
    %convert_element_type3A = arith.extui %eq3A_71 : i1 to i32
    %cond3A = arith.constant 0 : i32
    %cond3A_72 = arith.cmpi ne, %convert_element_type3A, %cond3A : i32
    scf.if %cond3A_72 {
      %broadcast_in_dim3A_97 = arith.constant 0.000000e+00 : f32
      %broadcast_in_dim3A_98 = vector.broadcast %broadcast_in_dim3A_97 : f32 to vector<8x128xf32>
      %swap3A_99 = arith.constant 0 : index
      %swap3A_100 = arith.constant 0 : index
      %swap3A_101 = vector.load %arg11[%swap3A_99, %swap3A_100] : memref<8x128xf32, #tpu.memory_space<vmem>>, vector<8x128xf32>
      tpu.vector_store %arg11[%swap3A_99, %swap3A_100], %broadcast_in_dim3A_98 {strides = array<i32>} : memref<8x128xf32, #tpu.memory_space<vmem>>, vector<8x128xf32>,
    } else {
    }
    %reduce_sum3A = arith.constant dense<0.000000e+00> : vector<128xf32>
    %reduce_sum3A_73 = vector.multi_reduction <add>, %add3A_68, %reduce_sum3A [0] : vector<2000x128xf32> to vector<128xf32>
    %broadcast_in_dim3A = vector.shape_cast %reduce_sum3A_73 : vector<128xf32> to vector<1x128xf32>
    %mul3A_74 = arith.mulf %add3A_68, %add3A_68 : vector<2000x128xf32>
    %reduce_sum3A_75 = arith.constant dense<0.000000e+00> : vector<128xf32>
    %reduce_sum3A_76 = vector.multi_reduction <add>, %mul3A_74, %reduce_sum3A_75 [0] : vector<2000x128xf32> to vector<128xf32>
    %broadcast_in_dim3A_77 = vector.shape_cast %reduce_sum3A_76 : vector<128xf32> to vector<1x128xf32>
    %get3A_78 = arith.constant 0 : index
    %get3A_79 = arith.constant 0 : index
    %get3A_80 = vector.load %arg11[%get3A_78, %get3A_79] : memref<8x128xf32, #tpu.memory_space<vmem>>, vector<1x128xf32>
    %add3A_81 = arith.addf %get3A_80, %broadcast_in_dim3A : vector<1x128xf32>
    %swap3A_82 = arith.constant 0 : index
    %swap3A_83 = arith.constant 0 : index
    %swap3A_84 = vector.load %arg11[%swap3A_82, %swap3A_83] : memref<8x128xf32, #tpu.memory_space<vmem>>, vector<1x128xf32>
    tpu.vector_store %arg11[%swap3A_82, %swap3A_83], %add3A_81 {strides = array<i32>} : memref<8x128xf32, #tpu.memory_space<vmem>>, vector<1x128xf32>,
    %get3A_85 = arith.constant 1 : index
    %get3A_86 = arith.constant 0 : index
    %get3A_87 = vector.load %arg11[%get3A_85, %get3A_86] : memref<8x128xf32, #tpu.memory_space<vmem>>, vector<1x128xf32>
    %add3A_88 = arith.addf %get3A_87, %broadcast_in_dim3A_77 : vector<1x128xf32>
    %swap3A_89 = arith.constant 1 : index
    %swap3A_90 = arith.constant 0 : index
    %swap3A_91 = vector.load %arg11[%swap3A_89, %swap3A_90] : memref<8x128xf32, #tpu.memory_space<vmem>>, vector<1x128xf32>
    tpu.vector_store %arg11[%swap3A_89, %swap3A_90], %add3A_88 {strides = array<i32>} : memref<8x128xf32, #tpu.memory_space<vmem>>, vector<1x128xf32>,
    %eq3A_92 = arith.constant 4 : i32
    %eq3A_93 = arith.cmpi eq, %arg0, %eq3A_92 : i32
    %convert_element_type3A_94 = arith.extui %eq3A_93 : i1 to i32
    %cond3A_95 = arith.constant 0 : i32
    %cond3A_96 = arith.cmpi ne, %convert_element_type3A_94, %cond3A_95 : i32
    scf.if %cond3A_96 {
      %get3A_97 = arith.constant 0 : index
      %get3A_98 = arith.constant 0 : index
      %get3A_99 = vector.load %arg11[%get3A_97, %get3A_98] : memref<8x128xf32, #tpu.memory_space<vmem>>, vector<8x128xf32>
      %swap3A_100 = arith.constant 0 : index
      %swap3A_101 = arith.constant 0 : index
      %swap3A_102 = vector.load %arg10[%swap3A_100, %swap3A_101] : memref<8x128xf32, #tpu.memory_space<vmem>>, vector<8x128xf32>
      tpu.vector_store %arg10[%swap3A_100, %swap3A_101], %get3A_99 {strides = array<i32>} : memref<8x128xf32, #tpu.memory_space<vmem>>, vector<8x128xf32>,
    } else {
    }
    return
  }
  func.func @transform_0(%arg0: i32) -> (i32, i32) {
    %c0_i32 = arith.constant 0 : i32
    %c0_i32_0 = arith.constant 0 : i32
    return %arg0, %c0_i32 : i32, i32
  }
  func.func @transform_1(%arg0: i32) -> (i32, i32) {
    %c0_i32 = arith.constant 0 : i32
    %c0_i32_0 = arith.constant 0 : i32
    %c0_i32_1 = arith.constant 0 : i32
    return %c0_i32, %c0_i32_0 : i32, i32
  }
  func.func @transform_2(%arg0: i32) -> (i32, i32) {
    %c0_i32 = arith.constant 0 : i32
    %c0_i32_0 = arith.constant 0 : i32
    %c0_i32_1 = arith.constant 0 : i32
    return %c0_i32, %c0_i32_0 : i32, i32
  }
  func.func @transform_3(%arg0: i32) -> (i32, i32) {
    %c0_i32 = arith.constant 0 : i32
    %c0_i32_0 = arith.constant 0 : i32
    %c0_i32_1 = arith.constant 0 : i32
    return %c0_i32, %c0_i32_0 : i32, i32
  }
  func.func @transform_4(%arg0: i32) -> (i32, i32) {
    %c0_i32 = arith.constant 0 : i32
    %c0_i32_0 = arith.constant 0 : i32
    %c0_i32_1 = arith.constant 0 : i32
    return %c0_i32, %c0_i32_0 : i32, i32
  }
  func.func @transform_5(%arg0: i32) -> (i32, i32) {
    %c0_i32 = arith.constant 0 : i32
    %c0_i32_0 = arith.constant 0 : i32
    %c0_i32_1 = arith.constant 0 : i32
    return %c0_i32, %c0_i32_0 : i32, i32
  }
  func.func @transform_6(%arg0: i32) -> (i32, i32) {
    %c0_i32 = arith.constant 0 : i32
    %c0_i32_0 = arith.constant 0 : i32
    %c0_i32_1 = arith.constant 0 : i32
    return %c0_i32, %c0_i32_0 : i32, i32
  }
  func.func @transform_7(%arg0: i32) -> (i32, i32) {
    %c0_i32 = arith.constant 0 : i32
    %c0_i32_0 = arith.constant 0 : i32
    %c0_i32_1 = arith.constant 0 : i32
    return %c0_i32, %c0_i32_0 : i32, i32
  }
  func.func @transform_8(%arg0: i32) -> (i32, i32) {
    %c0_i32 = arith.constant 0 : i32
    %c0_i32_0 = arith.constant 0 : i32
    return %arg0, %c0_i32 : i32, i32
  }
  func.func @transform_9(%arg0: i32) -> (i32, i32) {
    %c0_i32 = arith.constant 0 : i32
    %c0_i32_0 = arith.constant 0 : i32
    %c0_i32_1 = arith.constant 0 : i32
    return %c0_i32, %c0_i32_0 : i32, i32
  }
}

module attributes {stable_mosaic.version = 14 : i64} {
  func.func @_bn2_body(%arg0: i32, %arg1: memref<2000x128xf32, #tpu.memory_space<vmem>>, %arg2: memref<8x128xf32, #tpu.memory_space<vmem>>, %arg3: memref<1x128xf32, #tpu.memory_space<vmem>>, %arg4: memref<1x128xf32, #tpu.memory_space<vmem>>, %arg5: memref<2000x128xf32, #tpu.memory_space<vmem>>) attributes {dimension_semantics = [#tpu.dimension_semantics<arbitrary>], iteration_bounds = array<i64: 5>, scalar_prefetch = 0 : i64, scratch_operands = 0 : i64, tpu.core_type = #tpu.core_type<tc>, window_params = [{transform_indices = @transform_0, window_bounds = array<i64: 2000, 128>}, {pipeline_mode = #tpu.pipeline_mode<synchronous>, transform_indices = @transform_1, window_bounds = array<i64: 8, 128>}, {pipeline_mode = #tpu.pipeline_mode<synchronous>, transform_indices = @transform_2, window_bounds = array<i64: 1, 128>}, {pipeline_mode = #tpu.pipeline_mode<synchronous>, transform_indices = @transform_3, window_bounds = array<i64: 1, 128>}, {transform_indices = @transform_4, window_bounds = array<i64: 2000, 128>}]} {
    %get3A = arith.constant 0 : index
    %get3A_0 = arith.constant 0 : index
    %get3A_1 = vector.load %arg1[%get3A, %get3A_0] : memref<2000x128xf32, #tpu.memory_space<vmem>>, vector<2000x128xf32>
    %get3A_2 = arith.constant 0 : index
    %get3A_3 = arith.constant 0 : index
    %get3A_4 = vector.load %arg2[%get3A_2, %get3A_3] : memref<8x128xf32, #tpu.memory_space<vmem>>, vector<8x128xf32>
    %get3A_5 = arith.constant 0 : index
    %get3A_6 = arith.constant 0 : index
    %get3A_7 = vector.load %arg3[%get3A_5, %get3A_6] : memref<1x128xf32, #tpu.memory_space<vmem>>, vector<1x128xf32>
    %get3A_8 = arith.constant 0 : index
    %get3A_9 = arith.constant 0 : index
    %get3A_10 = vector.load %arg4[%get3A_8, %get3A_9] : memref<1x128xf32, #tpu.memory_space<vmem>>, vector<1x128xf32>
    %slice3A = vector.extract_strided_slice %get3A_4 {offsets = [0, 0], sizes = [1, 128], strides = [1, 1]} : vector<8x128xf32> to vector<1x128xf32>
    %mul3A = arith.constant 9.99999974E-5 : f32
    %mul3A_11 = vector.broadcast %mul3A : f32 to vector<1x128xf32>
    %mul3A_12 = arith.mulf %slice3A, %mul3A_11 : vector<1x128xf32>
    %slice3A_13 = vector.extract_strided_slice %get3A_4 {offsets = [1, 0], sizes = [1, 128], strides = [1, 1]} : vector<8x128xf32> to vector<1x128xf32>
    %mul3A_14 = arith.constant 9.99999974E-5 : f32
    %mul3A_15 = vector.broadcast %mul3A_14 : f32 to vector<1x128xf32>
    %mul3A_16 = arith.mulf %slice3A_13, %mul3A_15 : vector<1x128xf32>
    %mul3A_17 = arith.mulf %mul3A_12, %mul3A_12 : vector<1x128xf32>
    %sub3A = arith.subf %mul3A_16, %mul3A_17 : vector<1x128xf32>
    %sub3A_18 = vector.broadcast %mul3A_12 : vector<1x128xf32> to vector<2000x128xf32>
    %sub3A_19 = arith.subf %get3A_1, %sub3A_18 : vector<2000x128xf32>
    %add3A = arith.constant 9.99999974E-6 : f32
    %add3A_20 = vector.broadcast %add3A : f32 to vector<1x128xf32>
    %add3A_21 = arith.addf %sub3A, %add3A_20 : vector<1x128xf32>
    %rsqrt3A = math.rsqrt %add3A_21 : vector<1x128xf32>
    %mul3A_22 = vector.broadcast %rsqrt3A : vector<1x128xf32> to vector<2000x128xf32>
    %mul3A_23 = arith.mulf %sub3A_19, %mul3A_22 : vector<2000x128xf32>
    %mul3A_24 = vector.broadcast %get3A_7 : vector<1x128xf32> to vector<2000x128xf32>
    %mul3A_25 = arith.mulf %mul3A_23, %mul3A_24 : vector<2000x128xf32>
    %add3A_26 = vector.broadcast %get3A_10 : vector<1x128xf32> to vector<2000x128xf32>
    %add3A_27 = arith.addf %mul3A_25, %add3A_26 : vector<2000x128xf32>
    %swap3A = arith.constant 0 : index
    %swap3A_28 = arith.constant 0 : index
    %swap3A_29 = vector.load %arg5[%swap3A, %swap3A_28] : memref<2000x128xf32, #tpu.memory_space<vmem>>, vector<2000x128xf32>
    tpu.vector_store %arg5[%swap3A, %swap3A_28], %add3A_27 {strides = array<i32>} : memref<2000x128xf32, #tpu.memory_space<vmem>>, vector<2000x128xf32>,
    return
  }
  func.func @transform_0(%arg0: i32) -> (i32, i32) {
    %c0_i32 = arith.constant 0 : i32
    %c0_i32_0 = arith.constant 0 : i32
    return %arg0, %c0_i32 : i32, i32
  }
  func.func @transform_1(%arg0: i32) -> (i32, i32) {
    %c0_i32 = arith.constant 0 : i32
    %c0_i32_0 = arith.constant 0 : i32
    %c0_i32_1 = arith.constant 0 : i32
    return %c0_i32, %c0_i32_0 : i32, i32
  }
  func.func @transform_2(%arg0: i32) -> (i32, i32) {
    %c0_i32 = arith.constant 0 : i32
    %c0_i32_0 = arith.constant 0 : i32
    %c0_i32_1 = arith.constant 0 : i32
    return %c0_i32, %c0_i32_0 : i32, i32
  }
  func.func @transform_3(%arg0: i32) -> (i32, i32) {
    %c0_i32 = arith.constant 0 : i32
    %c0_i32_0 = arith.constant 0 : i32
    %c0_i32_1 = arith.constant 0 : i32
    return %c0_i32, %c0_i32_0 : i32, i32
  }
  func.func @transform_4(%arg0: i32) -> (i32, i32) {
    %c0_i32 = arith.constant 0 : i32
    %c0_i32_0 = arith.constant 0 : i32
    return %arg0, %c0_i32 : i32, i32
  }
}

</mosaic_0001>

<sc_bundles>
// kernel: kernel.7.cloned.1.call-start
scs
__scs_entry_jumppad:
0x0: {  	(pc) =	sbr.rel $0x88, $3  }
0x1: {  	(tag) =	ssettag $0x0;
	lr =	simm.s32 $0x1  }
0x2: {  	[smem:$0x3F8F] =	sst lr;
	_ =	strace $0xD0000000  }
0x3: {  	_ = 	snop  }
0x4: {  	_ = 	snop  }
0x5: {  	_ = 	snop  }
0x6: {  	_ = 	snop  }
0x7: {  	_ = 	snop  }
__scs_overlays_trampoline_lowered:
0x8: {  	[smem:$0x3F9E] =	sst s0  }
0x9: {  	[smem:$0x3F9F] =	sst s1  }
0xa: {  	[smem:$0x3FA0] =	sst s2  }
0xb: {  	[smem:$0x3FA1] =	sst s3  }
0xc: {  	[smem:$0x3FA2] =	sst s4  }
0xd: {  	[smem:$0x3FA3] =	sst s5  }
0xe: {  	[smem:$0x3FA4] =	sst s6  }
0xf: {  	[smem:$0x3FA5] =	sst s7  }
0x10: {  	[smem:$0x3FA6] =	sst s8  }
0x11: {  	[smem:$0x3FA7] =	sst s9;
	s0 =	simm.s32 @!p0 $0x0  }
0x12: {  	s1 =	sld [smem:$0x3F8D];
	s0 =	simm.s32 @p0 $0x1  }
0x13: {  	[smem:$0x3FA8] =	sst s0;
	s0 =	simm.s32 @!p1 $0x0  }
0x14: {  	s2 =	sld [smem:$0x3F8C];
	s0 =	simm.s32 @p1 $0x1  }
0x15: {  	[smem:$0x3FA9] =	sst s0;
	s0 =	simm.s32 @!p2 $0x0  }
0x16: {  	s3 =	sld [smem:$0x3FDB];
	s0 =	simm.s32 @p2 $0x1  }
0x17: {  	s4 =	simm.s32 $0x1BF5;
	[smem:$0x3FAB] =	sst s0  }
0x18: {  	s0 =	sld [smem:$0x3F8E];
	_ =	swait.ge [sflag:s4], $0x0  }
0x19: {  	s7 =	sld [smem:$0x3F8F]  }
0x1a: {  	s8 =	sadd.s32 $0xFFFFE003, lr  }
0x1b: {  	s9 =	sadd.s32 $0xFFFFFEF7, lr;
	s5 =	simm.s32 $0xFFFFFFFF;
	p2 =	slt.u32 s8, $0xFFFFF086  }
0x1c: {  	p1 =	slt.u32 s9, $0xF7A;
	s5 =	simm.s32 @!p2 $0x0  }
0x1d: {  	s5 =	simm.s32 @p1 $0x1;
	p0 =	seq.s32 s7, s2  }
0x1e: {  	s7 =	smul.u32 @!p0 $0xF7A, s2;
	p2 =	seq.s32 @!p0 s5, $0x0  }
0x1f: {  	s9 =	smul.u32 $0xF7A, s1;
	s8 =	simm.s32 @!p0 $0x1BF5;
	p2 =	por !p2, p0  }
0x20: {  	[sflag:s8] =	ssyncset.s32 @!p0 $0xFFFFF086;
	s6 =	sadd.s32 @!p0 s3, s7;
	s7 =	simm.s32 @!p0 $0x108  }
0x21: {  	s3 =	sadd.s32 s3, s9;
	s6 =	sadd.s32 @!p0 $0x88, s6;
	s7 =	simm.s32 @p2 $0x1082  }
0x22: {  	[simem:s7], [sflag:s8] =	dma.local @!p0 [hbm:s6], $0xF7A  }
0x23: {  	s9 =	sor.u32 $0xD0000000, s2;
	s6 =	simm.s32 $0x108;
	_ =	swait.ge @!p0 [sflag:s8], $0x0  }
0x24: {  	s3 =	sadd.s32 $0x88, s3;
	s6 =	simm.s32 @!p1 $0x1082;
	[sflag:s4] =	ssyncset.s32 $0xFFFFF086  }
0x25: {  	[simem:s6], [sflag:s4] =	dma.local [hbm:s3], $0xF7A  }
0x26: {  	[smem:$0x3F8F] =	sst s1;
	(tag) =	ssettag s2;
	_ =	strace s9  }
0x27: {  	s1 =	sld [smem:$0x3F9F]  }
0x28: {  	s2 =	sld [smem:$0x3FA0]  }
0x29: {  	s4 =	sld [smem:$0x3FA2]  }
0x2a: {  	p0 =	seq.s32 s5, $0x0;
	s5 =	sld [smem:$0x3FA3]  }
0x2b: {  	s6 =	sld [smem:$0x3FA4]  }
0x2c: {  	s7 =	sld [smem:$0x3FA5]  }
0x2d: {  	s3 =	simm.s32 $0x108;
	s8 =	sld [smem:$0x3FA6]  }
0x2e: {  	s3 =	simm.s32 @!p0 $0x1082;
	s9 =	sld [smem:$0x3FA7]  }
0x2f: {  	lr =	sadd.s32 s0, s3;
	s0 =	sld [smem:$0x3F9E]  }
0x30: {  	s3 =	sld [smem:$0x3FA1]  }
0x31: {  	[smem:$0x3FAA] =	sst s10  }
0x32: {  	s10 =	sld [smem:$0x3FA8];
	_ =	sdelay $0x3  }
0x33: {  	p0 =	seq.s32 s10, $0x1;
	s10 =	sld [smem:$0x3FAA];
	_ =	sdelay $0x3  }
0x34: {  	[smem:$0x3FAA] =	sst s10  }
0x35: {  	s10 =	sld [smem:$0x3FA9];
	_ =	sdelay $0x3  }
0x36: {  	p1 =	seq.s32 s10, $0x1;
	s10 =	sld [smem:$0x3FAA];
	_ =	sdelay $0x3  }
0x37: {  	[smem:$0x3FAA] =	sst s10  }
0x38: {  	s10 =	sld [smem:$0x3FAB]  }
0x39: {  	_ = 	snop;
	(pc) =	sbr.ind lr, $3  }
0x3a: {  	_ = 	snop  }
0x3b: {  	_ = 	snop  }
0x3c: {  	p2 =	seq.s32 s10, $0x1;
	s10 =	sld [smem:$0x3FAA]  }
0x3d: {  	_ =	shalt  }
0x3e: {  	_ =	shalt  }
0x3f: {  	_ =	shalt  }
0x40: {  	_ =	shalt  }
0x41: {  	_ =	shalt  }
0x42: {  	_ =	shalt  }
0x43: {  	_ =	shalt  }
0x44: {  	_ =	shalt  }
0x45: {  	_ =	shalt  }
0x46: {  	_ =	shalt  }
0x47: {  	_ =	shalt  }
0x48: {  	_ =	shalt  }
0x49: {  	_ =	shalt  }
0x4a: {  	_ =	shalt  }
0x4b: {  	_ =	shalt  }
0x4c: {  	_ =	shalt  }
0x4d: {  	_ =	shalt  }
0x4e: {  	_ =	shalt  }
0x4f: {  	_ =	shalt  }
0x50: {  	_ =	shalt  }
0x51: {  	_ =	shalt  }
0x52: {  	_ =	shalt  }
0x53: {  	_ =	shalt  }
0x54: {  	_ =	shalt  }
0x55: {  	_ =	shalt  }
0x56: {  	_ =	shalt  }
0x57: {  	_ =	shalt  }
0x58: {  	_ =	shalt  }
0x59: {  	_ =	shalt  }
0x5a: {  	_ =	shalt  }
0x5b: {  	_ =	shalt  }
0x5c: {  	_ =	shalt  }
0x5d: {  	_ =	shalt  }
0x5e: {  	_ =	shalt  }
0x5f: {  	_ =	shalt  }
0x60: {  	_ =	shalt  }
0x61: {  	_ =	shalt  }
0x62: {  	_ =	shalt  }
0x63: {  	_ =	shalt  }
0x64: {  	_ =	shalt  }
0x65: {  	_ =	shalt  }
0x66: {  	_ =	shalt  }
0x67: {  	_ =	shalt  }
0x68: {  	_ =	shalt  }
0x69: {  	_ =	shalt  }
0x6a: {  	_ =	shalt  }
0x6b: {  	_ =	shalt  }
0x6c: {  	_ =	shalt  }
0x6d: {  	_ =	shalt  }
0x6e: {  	_ =	shalt  }
0x6f: {  	_ =	shalt  }
0x70: {  	_ =	shalt  }
0x71: {  	_ =	shalt  }
0x72: {  	_ =	shalt  }
0x73: {  	_ =	shalt  }
0x74: {  	_ =	shalt  }
0x75: {  	_ =	shalt  }
0x76: {  	_ =	shalt  }
0x77: {  	_ =	shalt  }
0x78: {  	_ =	shalt  }
0x79: {  	_ =	shalt  }
0x7a: {  	_ =	shalt  }
0x7b: {  	_ =	shalt  }
0x7c: {  	_ =	shalt  }
0x7d: {  	_ =	shalt  }
0x7e: {  	_ =	shalt  }
0x7f: {  	_ =	shalt  }
0x80: {  	_ =	shalt  }
0x81: {  	_ =	shalt  }
0x82: {  	_ =	shalt  }
0x83: {  	_ =	shalt  }
0x84: {  	_ =	shalt  }
0x85: {  	_ =	shalt  }
0x86: {  	_ =	shalt  }
0x87: {  	_ =	shalt  }
.Lfunc_end0:
.L_simem_size_0:
called_computation_lowered:
.L_overlay_start_0:
0x88: {  	s2 =	sld [smem:$0x3FD9]  }
0x89: {  	s3 =	sld [smem:$0x3FFE];
	_ =	sdelay $0x1  }
0x8a: {  	s1 =	srdreg.scid  }
0x8b: {  	s0 =	sand.u32 $0x1, s1  }
0x8c: {  	s17 =	sshll.u32 s0, $0xA;
	s2 =	sadd.s32 s3, s2  }
0x8d: {  	s2 =	sadd.s32 s2, s17  }
0x8e: {  	[smem:$0x3FB6] =	sst s2  }
0x8f: {  	_ = 	snop  }
0x90: {  	s2 =	sld [smem:$0x3FD0];
	(tm) =	ssettm $0x1  }
0x91: {  	s18 =	sld [smem:$0x3FFB];
	_ =	sdelay $0x3  }
0x92: {  	_ =	strace s18  }
0x93: {  	s3 =	sld [smem:$0x3FFC];
	_ =	sdelay $0x3  }
0x94: {  	_ =	strace s3  }
0x95: {  	s3 =	sld [smem:$0x3FFD];
	_ =	sdelay $0x3  }
0x96: {  	_ =	strace s3  }
0x97: {  	_ =	strace $0x8FFFFFFF  }
0x98: {  	s19 =	sld [smem:$0x3FDB];
	_ =	sdelay $0x1  }
0x99: {  	s4 =	simm.s32 $_scs_section_size  }
0x9a: {  	s5 =	simm.s32 $_size__tile_overlayer_lowered;
	s6 =	simm.s32 $_tile_overlayer_lowered  }
0x9b: {  	s22 =	simm.s32 $0x1BFF;
	s21 =	sshll.u32 s6, $0x1;
	s3 =	sadd.s32 s4, s19  }
0x9c: {  	s7 =	simm.s32 $0x0;
	s20 =	sshll.u32 s5, $0x1;
	s5 =	sadd.s32 s21, s3  }
0x9d: {  	[timem:s7], [sflag:s22] =	dma.local [hbm:s5], s20  }
0x9e: {  	_ =	swait.ge [sflag:s22], s20  }
0x9f: {  	s4 =	ssub.s32 $0x0, s20;
	[sflag:s22] =	ssyncset.done $0x0  }
0xa0: {  	[sflag:s22] =	ssyncadd.s32 s4;
	_ =	sdelay $0x1  }
0xa1: {  	s23 =	simm.s32 $0x1B8B  }
0xa2: {  	_ =	swait.ge [sflag:s23], $0x1  }
0xa3: {  	[sflag:s23] =	ssyncset.done $0x0  }
0xa4: {  	s25 =	simm.s32 $0x1B8E;
	s24 =	sld [smem:$0x3FFE];
	[sflag:s23] =	ssyncadd.s32 $0xFFFFFFFF  }
0xa5: {  	s26 =	simm.s32 $execute0_lowered;
	[smem:$0x3FD2] =	sst s25  }
0xa6: {  	s5 =	sshll.u32 s26, $0x1;
	_ =	strace $0x80000046;
	[dreg:$0x1] =	wrdreg $0xFFFFFFFF  }
0xa7: {  	s28 =	simm.s32 $_size_execute0_lowered;
	s3 =	sadd.s32 s3, s5;
	[dreg:$0x0] =	wrdreg $0x0  }
0xa8: {  	s5 =	sshll.u32 s28, $0x1;
	[dreg:$0x2] =	wrdreg s3  }
0xa9: {  	[dreg:$0x3] =	wrdreg s5  }
0xaa: {  	[dreg:$0x4] =	wrdreg $0xC0  }
0xab: {  	_ =	task [dreg:s7], $0x5FFFF  }
0xac: {  	[dreg:$0x1] =	wrdreg $0xFFFFFFFF  }
0xad: {  	[dreg:$0x0] =	wrdreg $0x60  }
0xae: {  	[dreg:$0x2] =	wrdreg s24  }
0xaf: {  	[dreg:$0x3] =	wrdreg s2  }
0xb0: {  	[dreg:$0x4] =	wrdreg $0x67200  }
0xb1: {  	[dreg:$0x5] =	wrdreg $0x9  }
0xb2: {  	_ =	task.clear_ibuf [dreg:s7], $0x6FFFF;
	_ =	strace $0x90000046  }
0xb3: {  	s29 =	simm.s32 $0x9;
	_ =	strace $0x80000048  }
0xb4: {  	_ =	swait.ge [sflag:s29], $0x1  }
0xb5: {  	[sflag:s29] =	ssyncadd.s32 $0xFFFFFFFF  }
0xb6: {  	_ =	strace $0x90000048  }
0xb7: {  	_ =	sfence  }
0xb8: {  	s30 =	sld [smem:$0x0];
	_ =	sdelay $0x2  }
0xb9: {  	s31 =	sshll.u32 s1, $0xD;
	s1 =	sshrl.u32 s1, $0x2  }
0xba: {  	s3 =	sand.u32 $0x4000, s31;
	s1 =	sadd.s32 s1, s30  }
0xbb: {  	s0 =	sor.u32 s3, s0;
	s1 =	sshll.u32 s1, $0x11  }
0xbc: {  	s0 =	sor.u32 s1, s0  }
0xbd: {  	s0 =	sadd.s32 $0x8F2B, s0  }
0xbe: {  	[sflag:s0] =	ssyncadd.remote.s32 $0x1  }
0xbf: {  	_ =	sfence.sel $0xFFFF  }
0xc0: {  	[dreg:$0x0] =	wrdreg $0xFFFFFFFF;
	(pc) =	sbr.abs _section_cstart, $3  }
0xc1: {  	[dreg:$0x1] =	wrdreg $0xFFFFFFFF  }
0xc2: {  	_ =	task.clear_ibuf [dreg:s7], $0x2FFFF;
	_ =	strace $0x9FFFFFFF  }
0xc3: {  	(tm) =	ssettm $0x7FFFFFFF  }
tec
execute0_lowered:
.L_overlay_start_1:
0x0: {  	(tag) =	ssettag $0x1  }
0x1: {  	s0 =	rddreg [dreg:$0x0]  }
0x2: {  	s1 =	srdreg.scid;
	s2 =	rddreg [dreg:$0x1]  }
0x3: {  	s11 =	stileid.u32;
	s3 =	rddreg [dreg:$0x2]  }
0x4: {  	s4 =	simm.s32 $0x0;
	s29 =	simm.s32 $0x1E50;
	s6 =	smul.u32 $0x55000, s11  }
0x5: {  	s30 =	simm.s32 $0x5;
	s31 =	simm.s32 $0x28;
	s1 =	sand.u32 $0x1, s1  }
0x6: {  	s7 =	smul.u32 $0x15400, s11;
	[smem:$0x7FF] =	sst s4;
	s6 =	sshrl.u32 s6, $0x2  }
0x7: {  	s11 =	sshll.u32 s11, $0x1;
	s5 =	smul.u32 $0x154000, s1;
	s9 =	sadd.s32 s6, s3  }
0x8: {  	_ =	strace $0x80000047;
	s26 =	ssub.s32 $0x2, s1;
	s25 =	sadd.s32 $0x1540, s9  }
0x9: {  	s1 =	sor.u32 s1, s11;
	s10 =	sadd.s32 $0x2A80, s9;
	[dreg:$0x4] =	wrdreg s25  }
0xa: {  	s11 =	simm.s32 $0x3;
	s12 =	sadd.s32 $0x3FC0, s9;
	[dreg:$0x5] =	wrdreg s10  }
0xb: {  	s13 =	sshrl.u32 s26, $0x1;
	s14 =	sadd.s32 $0x6A40, s9;
	[dreg:$0x6] =	wrdreg s12  }
0xc: {  	v0 =	vimm.s32 $0x80000007;
	vm0 =	vcmask $0x300;
	s20 =	smul.u32 $0x9C4, s1;
	s15 =	sadd.s32 $0x7F80, s9;
	[dreg:$0x8] =	wrdreg s14  }
0xd: {  	vm14 =	vcmask $0x704;
	v0 =	vsel vm0, $0x80000008, v0;
	s1 =	smul.u32 $0xFA, s1;
	s16 =	sadd.s32 $0x94C0, s9;
	[dreg:$0x9] =	wrdreg s15  }
0xe: {  	vm15 =	vcmask $0xB08;
	v0 =	vsel vm14, $0x80000009, v0;
	s8 =	sadd.s32 s7, s5;
	s17 =	sadd.s32 $0xAA00, s9;
	[dreg:$0xa] =	wrdreg s16  }
0xf: {  	vm4 =	vcmask $0xF0C;
	v0 =	vsel vm15, $0x8000000A, v0;
	s5 =	sadd.s32 $0x15200, s0;
	s18 =	sadd.s32 $0xBF40, s9;
	[dreg:$0xb] =	wrdreg s17  }
0x10: {  	vm5 =	vcmask $0x1310;
	s6 =	sadd.s32 $0x1800, s0;
	v0 =	vsel vm4, $0x8000000B, v0;
	s19 =	sadd.s32 $0xD480, s9;
	[dreg:$0xc] =	wrdreg s18  }
0x11: {  	vm6 =	vcmask $0x1714;
	s8 =	sshrl.u32 s8, $0x3;
	v0 =	vsel vm5, $0x8000000C, v0;
	s21 =	sadd.s32 $0xE9C0, s9;
	[dreg:$0xd] =	wrdreg s19  }
0x12: {  	vm7 =	vcmask $0x1B18;
	s22 =	sadd.s32 $0xFF00, s9;
	s23 =	sadd.s32 $0x11440, s9;
	v0 =	vsel vm6, $0x8000000D, v0;
	[dreg:$0xe] =	wrdreg s21  }
0x13: {  	vm8 =	vcmask $0x1F1C;
	s24 =	sadd.s32 $0x12980, s9;
	s0 =	sadd.s32 s8, s0;
	[dreg:$0xf] =	wrdreg s22;
	v0 =	vsel vm7, $0x8000000E, v0  }
0x14: {  	vm9 =	vcmask $0x2320;
	s12 =	sadd.s32 $0x5500, s9;
	s8 =	ssub.s32 s26, s13;
	[dreg:$0x10] =	wrdreg s23;
	v0 =	vsel vm8, $0x8000000F, v0  }
0x15: {  	vm10 =	vcmask $0x2724;
	s17 =	sadd.s32 s7, s3;
	[dreg:$0x11] =	wrdreg s24;
	s25 =	sadd.s32 $0x13EC0, s9;
	v0 =	vsel vm9, $0x80000000, v0  }
0x16: {  	vm11 =	vcmask $0x2B28;
	s26 =	sadd.s32 s5, s20;
	s24 =	sor.u32 $0x1, s1;
	s7 =	simm.s32 $0x33B8;
	v0 =	vsel vm10, $0x80000001, v0  }
0x17: {  	vm12 =	vcmask $0x2F2C;
	s9 =	simm.s32 $0x1;
	s10 =	simm.s32 $0x2;
	[dreg:$0x7] =	wrdreg s12;
	v0 =	vsel vm11, $0x80000002, v0  }
0x18: {  	vm13 =	vcmask $0x3330;
	s13 =	simm.s32 $0x4;
	s14 =	simm.s32 $0x0;
	[dreg:$0x12] =	wrdreg s25;
	v0 =	vsel vm12, $0x80000003, v0  }
0x19: {  	v1 =	vimm.s32 $0x0;
	vm14 =	vcmask $0x3734;
	[dreg:$0x13] =	wrdreg s26;
	s25 =	sadd.s32 $0x2, s1;
	s0 =	sadd.s32 $0x28C00, s0;
	v2 =	vsel vm13, $0x80000004, v0  }
0x1a: {  	vm15 =	vcmask $0x3B38;
	s28 =	smax.u32 s8, $0x1;
	s1 =	simm.s32 $0x3390;
	s8 =	simm.s32 $0x3DE0;
	v0 =	vlaneseq.u32;
	v3 =	vsel vm14, $0x80000005, v2  }
0x1b: {  	s12 =	simm.s32 $0x51E0;
	[dreg:$0x14] =	wrdreg s0;
	s0 =	simm.s32 $0x33E0;
	v2 =	vimm.f32 $0.0e+00;
	v4 =	vor.u32 $0x80, v0;
	v3 =	vsel vm15, $0x80000006, v3  }
.LBB2_1:
0x1c: {  	v8 =	vor.u32 s4, v0  }
0x1d: {  	v5 =	vmulhi.u32 $0xF0F0F0F1, v8;
	_ =	sdelay $0x1  }
0x1e: {  	v6 =	vshrl.u32 v5, $0x7  }
0x1f: {  	v7 =	vmul.u32 $0xFFFFFF78, v6  }
0x20: {  	s15 =	simm.s32 $0x10  }
0x21: {  	v9 =	vmov s4;
	v5 =	vor.u32 s15, v0;
	v10 =	vadd.s32 v8, v7  }
0x22: {  	vm0 =	veq.s32 v9, v0;
	v7 =	vmulhi.u32 $0xF0F0F0F1, v5;
	vm1 =	vne.s32 v10, $0x0  }
0x23: {  	vm0 =	vmand vm0, vm1  }
0x24: {  	v12 =	vshrl.u32 v7, $0x7;
	v7 =	vsel vm0, $0xFFFFFFFF, v1  }
0x25: {  	v11 =	vmov s15;
	v9 =	vmul.u32 $0xFFFFFF78, v12;
	v7 =	vadd.s32 v7, v6  }
0x26: {  	s16 =	simm.s32 $0x20;
	vm14 =	veq.s32 v11, v0;
	v8 =	vand.u32 $0x7, v8;
	v13 =	vmul.u32 $0x88, v7  }
0x27: {  	v6 =	vor.u32 s16, v0;
	v7 =	vadd.s32 v5, v9;
	v9 =	vand.u32 $0xF8, v10  }
0x28: {  	v10 =	vmulhi.u32 $0xF0F0F0F1, v6;
	vm15 =	vne.s32 v7, $0x0;
	v9 =	vadd.s32 v9, v13  }
0x29: {  	vm0 =	vmand vm14, vm15;
	v8 =	vor.u32 v8, v9  }
0x2a: {  	v9 =	vshrl.u32 v10, $0x7;
	v13 =	vsel vm0, $0xFFFFFFFF, v1  }
0x2b: {  	s15 =	simm.s32 $0x30;
	v10 =	vmov s16;
	v11 =	vmul.u32 $0xFFFFFF78, v9;
	v12 =	vadd.s32 v13, v12  }
.LBB2_2:
0x2c: {  	v13 =	vand.u32 $0x7, v5;
	v12 =	vmul.u32 $0x88, v12;
	v5 =	vmovc v6;
	v6 =	vor.u32 s15, v0;
	s16 =	smov.u32 s15;
	p0 =	sne.s32 s15, $0x1530  }
.Ltmp0:
0x2d: {  	s15 =	sadd.s32 $0x10, s15;
	vm0 =	veq.s32 v10, v0;
	v10 =	vand.u32 $0xF8, v7;
	v7 =	vadd.s32 v5, v11;
	(pc) =	sbr.rel @p0 .LBB2_2-.Ltmp0, $4  }
0x2e: {  	v11 =	vmulhi.u32 $0xF0F0F0F1, v6;
	vm1 =	vne.s32 v7, $0x0;
	v10 =	vadd.s32 v10, v12;
	[tilespmem:v8+s29+$0x0] =	vst.idx.msk $0xffff, v2  }
0x2f: {  	vm0 =	vmand vm0, vm1;
	v8 =	vor.u32 v13, v10  }
0x30: {  	v13 =	vshrl.u32 v11, $0x7;
	v12 =	vsel vm0, $0xFFFFFFFF, v1  }
0x31: {  	v10 =	vmov s16;
	v11 =	vmul.u32 $0xFFFFFF78, v13;
	v12 =	vadd.s32 v12, v9;
	v9 =	vmovc v13  }
0x32: {  	_ = 	snop  }
0x33: {  	v11 =	vadd.s32 v6, v11  }
0x34: {  	vm0 =	veq.s32 v10, v0;
	vm1 =	vne.s32 v11, $0x0  }
0x35: {  	vm0 =	vmand vm0, vm1  }
0x36: {  	v62 =	vsel vm0, $0xFFFFFFFF, v1  }
0x37: {  	v12 =	vmul.u32 $0x88, v12;
	v9 =	vadd.s32 v62, v9  }
0x38: {  	v7 =	vand.u32 $0xF8, v7;
	v9 =	vmul.u32 $0x88, v9  }
0x39: {  	v5 =	vand.u32 $0x7, v5;
	v7 =	vadd.s32 v7, v12;
	v63 =	vand.u32 $0xF8, v11  }
0x3a: {  	v6 =	vand.u32 $0x7, v6;
	v5 =	vor.u32 v5, v7;
	v7 =	vadd.s32 v63, v9  }
0x3b: {  	v6 =	vor.u32 v6, v7;
	_ =	sdelay $0x2  }
0x3c: {  	[tilespmem:v8+s29+$0x0] =	vst.idx.msk $0xffff, v2  }
0x3d: {  	[tilespmem:v5+s29+$0x0] =	vst.idx.msk $0xffff, v2  }
0x3e: {  	[tilespmem:v6+s29+$0x0] =	vst.idx.msk $0xffff, v2  }
0x3f: {  	[spmem:s17] =	stream.linear.scatter [tilespmem:s29], [sflag:$0x5], $0x1540, $0x38;
	[tilespmem:$0x1BB20] =	vst v63  }
0x40: {  	_ =	swait.ge [sflag:s30], $0x1540  }
0x41: {  	[sflag:s30] =	ssyncset.done $0x0  }
0x42: {  	s15 =	rddreg [dreg:$0x4];
	[sflag:s30] =	ssyncadd.s32 $0xFFFFEAC0  }
0x43: {  	[spmem:s15] =	stream.linear.scatter [tilespmem:s29], [sflag:$0x5], $0x1540, $0x38;
	[tilespmem:$0x1BB20] =	vst v63  }
0x44: {  	_ =	swait.ge [sflag:s30], $0x1540  }
0x45: {  	[sflag:s30] =	ssyncset.done $0x0  }
0x46: {  	s16 =	rddreg [dreg:$0x5];
	[sflag:s30] =	ssyncadd.s32 $0xFFFFEAC0  }
0x47: {  	[spmem:s16] =	stream.linear.scatter [tilespmem:s29], [sflag:$0x5], $0x1540, $0x38;
	[tilespmem:$0x1BB20] =	vst v63  }
0x48: {  	_ =	swait.ge [sflag:s30], $0x1540  }
0x49: {  	[sflag:s30] =	ssyncset.done $0x0  }
0x4a: {  	s18 =	rddreg [dreg:$0x6];
	[sflag:s30] =	ssyncadd.s32 $0xFFFFEAC0  }
0x4b: {  	[spmem:s18] =	stream.linear.scatter [tilespmem:s29], [sflag:$0x5], $0x1540, $0x38;
	[tilespmem:$0x1BB20] =	vst v63  }
0x4c: {  	_ =	swait.ge [sflag:s30], $0x1540  }
0x4d: {  	[sflag:s30] =	ssyncset.done $0x0  }
0x4e: {  	s19 =	rddreg [dreg:$0x7];
	[sflag:s30] =	ssyncadd.s32 $0xFFFFEAC0  }
0x4f: {  	[spmem:s19] =	stream.linear.scatter [tilespmem:s29], [sflag:$0x5], $0x1540, $0x38;
	[tilespmem:$0x1BB20] =	vst v63  }
0x50: {  	_ =	swait.ge [sflag:s30], $0x1540  }
0x51: {  	[sflag:s30] =	ssyncset.done $0x0  }
0x52: {  	s20 =	rddreg [dreg:$0x8];
	[sflag:s30] =	ssyncadd.s32 $0xFFFFEAC0  }
0x53: {  	[spmem:s20] =	stream.linear.scatter [tilespmem:s29], [sflag:$0x5], $0x1540, $0x38;
	[tilespmem:$0x1BB20] =	vst v63  }
0x54: {  	_ =	swait.ge [sflag:s30], $0x1540  }
0x55: {  	[sflag:s30] =	ssyncset.done $0x0  }
0x56: {  	s21 =	rddreg [dreg:$0x9];
	[sflag:s30] =	ssyncadd.s32 $0xFFFFEAC0  }
0x57: {  	[spmem:s21] =	stream.linear.scatter [tilespmem:s29], [sflag:$0x5], $0x1540, $0x38;
	[tilespmem:$0x1BB20] =	vst v63  }
0x58: {  	_ =	swait.ge [sflag:s30], $0x1540  }
0x59: {  	[sflag:s30] =	ssyncset.done $0x0  }
0x5a: {  	s22 =	rddreg [dreg:$0xa];
	[sflag:s30] =	ssyncadd.s32 $0xFFFFEAC0  }
0x5b: {  	[spmem:s22] =	stream.linear.scatter [tilespmem:s29], [sflag:$0x5], $0x1540, $0x38;
	[tilespmem:$0x1BB20] =	vst v63  }
0x5c: {  	_ =	swait.ge [sflag:s30], $0x1540  }
0x5d: {  	[sflag:s30] =	ssyncset.done $0x0  }
0x5e: {  	s23 =	rddreg [dreg:$0xb];
	[sflag:s30] =	ssyncadd.s32 $0xFFFFEAC0  }
0x5f: {  	[spmem:s23] =	stream.linear.scatter [tilespmem:s29], [sflag:$0x5], $0x1540, $0x38;
	[tilespmem:$0x1BB20] =	vst v63  }
0x60: {  	_ =	swait.ge [sflag:s30], $0x1540  }
0x61: {  	[sflag:s30] =	ssyncset.done $0x0  }
0x62: {  	s26 =	rddreg [dreg:$0xc];
	[sflag:s30] =	ssyncadd.s32 $0xFFFFEAC0  }
0x63: {  	[spmem:s26] =	stream.linear.scatter [tilespmem:s29], [sflag:$0x5], $0x1540, $0x38;
	[tilespmem:$0x1BB20] =	vst v63  }
0x64: {  	_ =	swait.ge [sflag:s30], $0x1540  }
0x65: {  	[sflag:s30] =	ssyncset.done $0x0  }
0x66: {  	s16 =	rddreg [dreg:$0xd];
	[sflag:s30] =	ssyncadd.s32 $0xFFFFEAC0  }
0x67: {  	[spmem:s16] =	stream.linear.scatter [tilespmem:s29], [sflag:$0x5], $0x1540, $0x38;
	[tilespmem:$0x1BB20] =	vst v63  }
0x68: {  	_ =	swait.ge [sflag:s30], $0x1540  }
0x69: {  	[sflag:s30] =	ssyncset.done $0x0  }
0x6a: {  	s18 =	rddreg [dreg:$0xe];
	[sflag:s30] =	ssyncadd.s32 $0xFFFFEAC0  }
0x6b: {  	[spmem:s18] =	stream.linear.scatter [tilespmem:s29], [sflag:$0x5], $0x1540, $0x38;
	[tilespmem:$0x1BB20] =	vst v63  }
0x6c: {  	_ =	swait.ge [sflag:s30], $0x1540  }
0x6d: {  	[sflag:s30] =	ssyncset.done $0x0  }
0x6e: {  	s19 =	rddreg [dreg:$0xf];
	[sflag:s30] =	ssyncadd.s32 $0xFFFFEAC0  }
0x6f: {  	[spmem:s19] =	stream.linear.scatter [tilespmem:s29], [sflag:$0x5], $0x1540, $0x38;
	[tilespmem:$0x1BB20] =	vst v63  }
0x70: {  	_ =	swait.ge [sflag:s30], $0x1540  }
0x71: {  	[sflag:s30] =	ssyncset.done $0x0  }
0x72: {  	s20 =	rddreg [dreg:$0x10];
	[sflag:s30] =	ssyncadd.s32 $0xFFFFEAC0  }
0x73: {  	[spmem:s20] =	stream.linear.scatter [tilespmem:s29], [sflag:$0x5], $0x1540, $0x38;
	[tilespmem:$0x1BB20] =	vst v63  }
0x74: {  	_ =	swait.ge [sflag:s30], $0x1540  }
0x75: {  	[sflag:s30] =	ssyncset.done $0x0  }
0x76: {  	s21 =	rddreg [dreg:$0x11];
	[sflag:s30] =	ssyncadd.s32 $0xFFFFEAC0  }
0x77: {  	[spmem:s21] =	stream.linear.scatter [tilespmem:s29], [sflag:$0x5], $0x1540, $0x38;
	[tilespmem:$0x1BB20] =	vst v63  }
0x78: {  	_ =	swait.ge [sflag:s30], $0x1540  }
0x79: {  	[sflag:s30] =	ssyncset.done $0x0  }
0x7a: {  	s22 =	rddreg [dreg:$0x12];
	[sflag:s30] =	ssyncadd.s32 $0xFFFFEAC0  }
0x7b: {  	[spmem:s22] =	stream.linear.scatter [tilespmem:s29], [sflag:$0x5], $0x1540, $0x38;
	[tilespmem:$0x1BB20] =	vst v63  }
0x7c: {  	_ =	swait.ge [sflag:s30], $0x1540  }
0x7d: {  	[sflag:s30] =	ssyncset.done $0x0  }
0x7e: {  	[sflag:s30] =	ssyncadd.s32 $0xFFFFEAC0  }
0x7f: {  	[bflag:$0x0] =	sbarrier.arrive $0xFFFF  }
0x80: {  	s15 =	simm.s32 $0x0;
	s16 =	rddreg [dreg:$0x13]  }
0x81: {  	[tilespmem:s15], [sflag:$0x5] =	stream.linear.gather [hbm4b:s16+s15], $0x50, $0x38;
	[tilespmem:$0x1BB20] =	vst v63  }
0x82: {  	_ =	swait.ge [sflag:s30], $0x50  }
0x83: {  	[sflag:s30] =	ssyncset.done $0x0  }
0x84: {  	s23 =	simm.s32 $0x50;
	[sflag:s30] =	ssyncadd.s32 $0xFFFFFFB0  }
0x85: {  	[tilespmem:s23], [sflag:$0x1] =	stream.indirect.gather [hbm4b:s6+s31], $0x40, s15, s31, $0xb8;
	[tilespmem:$0x1BB20] =	vst v63  }
0x86: {  	s26 =	simm.s32 $0xA50;
	s16 =	simm.s32 $0x0  }
0x87: {  	[tilespmem:s26], [sflag:$0x2] =	stream.indirect.gather [hbm4b:s2+s31], $0x80, s31, s31, $0xb8;
	[tilespmem:$0x1BB20] =	vst v63  }
.LBB2_4:
0x88: {  	s18 =	sshll.u32 s16, $0x1;
	p0 =	seq.s32 s16, $0x0  }
0x89: {  	s19 =	simm.s32 @!p0 $0x4;
	s20 =	sadd.s32 s18, s24  }
0x8a: {  	_ =	swait.ge @!p0 [sflag:s19], $0x1540;
	s20 =	smul.u32 $0xA, s20  }
0x8b: {  	[sflag:s19] =	ssyncset.done @!p0 $0x0  }
0x8c: {  	[sflag:s19] =	ssyncadd.s32 @!p0 $0xFFFFEAC0;
	s26 =	sadd.s32 s5, s20  }
0x8d: {  	[tilespmem:s1], [sflag:$0x5] =	stream.linear.gather [hbm4b:s26+s15], $0x50, $0x38;
	[tilespmem:$0x1BB20] =	vst v63  }
0x8e: {  	_ =	swait.ge [sflag:s30], $0x50  }
0x8f: {  	[sflag:s30] =	ssyncset.done $0x0  }
0x90: {  	[sflag:s30] =	ssyncadd.s32 $0xFFFFFFB0  }
0x91: {  	[tilespmem:s0], [sflag:$0x1] =	stream.indirect.gather [hbm4b:s6+s31], $0x40, s1, s31, $0xb8;
	[tilespmem:$0x1BB20] =	vst v63  }
0x92: {  	_ = 	snop  }
0x93: {  	[tilespmem:s8], [sflag:$0x2] =	stream.indirect.gather [hbm4b:s2+s31], $0x80, s7, s31, $0xb8;
	[tilespmem:$0x1BB20] =	vst v63  }
0x94: {  	_ =	swait.ge [sflag:s9], $0xA00  }
0x95: {  	[sflag:s9] =	ssyncset.done $0x0  }
0x96: {  	[sflag:s9] =	ssyncadd.s32 $0xFFFFF600  }
0x97: {  	_ =	swait.ge [sflag:s10], $0x1400  }
0x98: {  	[sflag:s10] =	ssyncset.done $0x0  }
0x99: {  	s19 =	simm.s32 $0x70;
	[sflag:s10] =	ssyncadd.s32 $0xFFFFEC00  }
0x9a: {  	s20 =	simm.s32 $0xA90;
	v5 =	vld [tilespmem:s19+$0xFFFFFFE0]  }
0x9b: {  	v6 =	vld [tilespmem:s20+$0xFFFFFFD0]  }
0x9c: {  	v7 =	vld [tilespmem:s20+$0xFFFFFFC0]  }
0x9d: {  	v8 =	vld [tilespmem:s19+$0xFFFFFFF0];
	_ =	sdelay $0x1  }
0x9e: {  	v9 =	vld [tilespmem:s20+$0xFFFFFFE0]  }
0x9f: {  	v59 =	vld [tilespmem:s19+$0x10];
	v10 =	vunpack.i.u.bf16.f32 v5  }
0xa0: {  	v11 =	vld [tilespmem:s19+$0x0];
	v5 =	vunpack.i.l.bf16.f32 v5;
	v12 =	vunpack.i.l.bf16.f32 v6;
	v14 =	vunpack.i.l.bf16.f32 v7  }
0xa1: {  	v15 =	vunpack.i.u.bf16.f32 v8;
	v7 =	vunpack.i.u.bf16.f32 v7;
	v8 =	vunpack.i.l.bf16.f32 v8  }
0xa2: {  	v13 =	vld [tilespmem:s20+$0xFFFFFFF0];
	v6 =	vunpack.i.u.bf16.f32 v6;
	v5 =	vmul.f32 v14, v5;
	v7 =	vmul.f32 v7, v10  }
0xa3: {  	v60 =	vunpack.i.u.bf16.f32 v9;
	v8 =	vmul.f32 v12, v8;
	v6 =	vmul.f32 v6, v15  }
0xa4: {  	v9 =	vunpack.i.l.bf16.f32 v9;
	v62 =	vunpack.i.u.bf16.f32 v59;
	v5 =	vadd.f32 v5, v7  }
0xa5: {  	v7 =	vunpack.i.l.bf16.f32 v11;
	v11 =	vunpack.i.u.bf16.f32 v11;
	v6 =	vadd.f32 v8, v6  }
0xa6: {  	v63 =	vunpack.i.l.bf16.f32 v59;
	v7 =	vmul.f32 v9, v7;
	v61 =	vmul.f32 v60, v11  }
0xa7: {  	v8 =	vunpack.i.l.bf16.f32 v13;
	v5 =	vadd.f32 v6, v5;
	v6 =	vunpack.i.u.bf16.f32 v13  }
0xa8: {  	v8 =	vmul.f32 v8, v63;
	v7 =	vadd.f32 v7, v61;
	v6 =	vmul.f32 v6, v62;
	_ =	sdelay $0x1  }
0xa9: {  	v5 =	vadd.f32 v7, v5;
	v6 =	vadd.f32 v8, v6;
	_ =	sdelay $0x1  }
0xaa: {  	v5 =	vadd.f32 v6, v5;
	_ =	sdelay $0x1  }
0xab: {  	(xrf1) =	vsort.ascd.msk.u32 $0xffff, v3, v5;
	_ =	sdelay $0xd  }
0xac: {  	_, v6, _ =	vpop (xrf1)  }
0xad: {  	v5 =	vadd.f32 v6, v5;
	_ =	sdelay $0x1  }
0xae: {  	v5 =	vmul.f32 $1.442695020e+00, v5;
	_ =	sdelay $0x1  }
0xaf: {  	v6 =	vmov s15;
	(erf) = vpow2.f32 v5  }
0xb0: {  	v5 =	vmul.u32 $0x88, v6;
	_ =	sdelay $0x1  }
0xb1: {  	v5 =	vbroadcast v5, $0x0;
	_ =	sdelay $0x1  }
0xb2: {  	v6 =	vadd.s32 v4, v5;
	_ =	sdelay $0x3  }
0xb3: {  	v5 =	vpop (erf)  }
0xb4: {  	[tilespmem:v6+s29+$0x0] =	vst.idx.msk $0xff, v5  }
0xb5: {  	v6 =	vld [tilespmem:s20+$0x0];
	_ =	sdelay $0x4  }
0xb6: {  	v7 =	vunpack.i.l.bf16.f32 v6  }
0xb7: {  	v6 =	vunpack.i.u.bf16.f32 v6;
	v7 =	vmul.f32 v5, v7  }
0xb8: {  	s21 =	simm.s32 $0x1E90;
	v6 =	vmul.f32 v5, v6  }
0xb9: {  	[tilespmem:s21+$0xFFFFFFC0] =	vst v7  }
0xba: {  	[tilespmem:s21+$0xFFFFFFD0] =	vst v6  }
0xbb: {  	v6 =	vld [tilespmem:s20+$0x10];
	_ =	sdelay $0x4  }
0xbc: {  	v7 =	vunpack.i.l.bf16.f32 v6  }
0xbd: {  	v6 =	vunpack.i.u.bf16.f32 v6;
	v7 =	vmul.f32 v7, v5  }
0xbe: {  	v6 =	vmul.f32 v6, v5  }
0xbf: {  	[tilespmem:s21+$0xFFFFFFE0] =	vst v7  }
0xc0: {  	[tilespmem:s21+$0xFFFFFFF0] =	vst v6  }
0xc1: {  	v6 =	vld [tilespmem:s20+$0x20];
	_ =	sdelay $0x4  }
0xc2: {  	v7 =	vunpack.i.l.bf16.f32 v6  }
0xc3: {  	v6 =	vunpack.i.u.bf16.f32 v6;
	v7 =	vmul.f32 v7, v5  }
0xc4: {  	v6 =	vmul.f32 v6, v5  }
0xc5: {  	[tilespmem:s21+$0x0] =	vst v7  }
0xc6: {  	[tilespmem:s21+$0x10] =	vst v6  }
0xc7: {  	s23 =	simm.s32 $0x1;
	s22 =	simm.s32 $0x1E90;
	v6 =	vld [tilespmem:s20+$0x30]  }
.LBB2_5:
0xc8: {  	_ =	sdelay $0x1  }
0xc9: {  	s21 =	sadd.s32 $0x88, s21;
	s20 =	sadd.s32 $0x80, s20;
	s19 =	sadd.s32 $0x40, s19  }
0xca: {  	p0 =	sne.s32 s23, $0x27;
	s26 =	smov.u32 s23;
	s23 =	sadd.s32 $0x1, s23  }
0xcb: {  	v7 =	vunpack.i.u.bf16.f32 v6;
	v6 =	vunpack.i.l.bf16.f32 v6  }
0xcc: {  	v6 =	vmul.f32 v6, v5;
	v5 =	vmul.f32 v7, v5;
	_ =	sdelay $0x1  }
0xcd: {  	[tilespmem:s22+$0x20] =	vst v6  }
0xce: {  	[tilespmem:s22+$0x30] =	vst v5;
	s22 =	smov.u32 s21  }
0xcf: {  	v5 =	vld [tilespmem:s19+$0xFFFFFFE0]  }
0xd0: {  	v6 =	vld [tilespmem:s20+$0xFFFFFFD0]  }
0xd1: {  	v7 =	vld [tilespmem:s19+$0xFFFFFFF0]  }
0xd2: {  	v8 =	vld [tilespmem:s20+$0xFFFFFFC0];
	_ =	sdelay $0x1  }
0xd3: {  	v9 =	vld [tilespmem:s20+$0xFFFFFFE0]  }
0xd4: {  	v10 =	vunpack.i.u.bf16.f32 v5;
	v5 =	vunpack.i.l.bf16.f32 v5;
	v11 =	vunpack.i.l.bf16.f32 v6;
	v12 =	vld [tilespmem:s19+$0x0]  }
0xd5: {  	v6 =	vunpack.i.u.bf16.f32 v6;
	v13 =	vunpack.i.u.bf16.f32 v7;
	v7 =	vunpack.i.l.bf16.f32 v7;
	v14 =	vld [tilespmem:s20+$0xFFFFFFF0]  }
0xd6: {  	v15 =	vunpack.i.u.bf16.f32 v8;
	v8 =	vunpack.i.l.bf16.f32 v8;
	v7 =	vmul.f32 v11, v7;
	v11 =	vld [tilespmem:s19+$0x10]  }
0xd7: {  	v5 =	vmul.f32 v8, v5;
	v8 =	vmul.f32 v15, v10  }
0xd8: {  	v6 =	vmul.f32 v6, v13;
	v10 =	vunpack.i.u.bf16.f32 v9;
	v9 =	vunpack.i.l.bf16.f32 v9  }
0xd9: {  	v5 =	vadd.f32 v5, v8;
	v8 =	vunpack.i.u.bf16.f32 v12;
	v12 =	vunpack.i.l.bf16.f32 v12  }
0xda: {  	v6 =	vadd.f32 v7, v6;
	v7 =	vmul.f32 v9, v12;
	v9 =	vunpack.i.l.bf16.f32 v14  }
0xdb: {  	v8 =	vmul.f32 v10, v8;
	v10 =	vunpack.i.u.bf16.f32 v11;
	v11 =	vunpack.i.l.bf16.f32 v11  }
0xdc: {  	v5 =	vadd.f32 v6, v5;
	v6 =	vunpack.i.u.bf16.f32 v14;
	v9 =	vmul.f32 v9, v11  }
0xdd: {  	v7 =	vadd.f32 v7, v8;
	v6 =	vmul.f32 v6, v10;
	_ =	sdelay $0x1  }
0xde: {  	v5 =	vadd.f32 v7, v5;
	v6 =	vadd.f32 v9, v6;
	_ =	sdelay $0x1  }
0xdf: {  	v5 =	vadd.f32 v6, v5;
	_ =	sdelay $0x1  }
0xe0: {  	(xrf1) =	vsort.ascd.msk.u32 $0xffff, v3, v5;
	_ =	sdelay $0xd  }
0xe1: {  	_, v6, _ =	vpop (xrf1)  }
0xe2: {  	v5 =	vadd.f32 v6, v5;
	_ =	sdelay $0x1  }
0xe3: {  	v5 =	vmul.f32 $1.442695020e+00, v5;
	_ =	sdelay $0x1  }
0xe4: {  	v6 =	vmov s26;
	(erf) = vpow2.f32 v5  }
0xe5: {  	v5 =	vmul.u32 $0x88, v6;
	_ =	sdelay $0x1  }
0xe6: {  	v5 =	vbroadcast v5, $0x0;
	_ =	sdelay $0x1  }
0xe7: {  	v6 =	vadd.s32 v4, v5;
	_ =	sdelay $0x3  }
0xe8: {  	v5 =	vpop (erf)  }
0xe9: {  	[tilespmem:v6+s29+$0x0] =	vst.idx.msk $0xff, v5  }
0xea: {  	v6 =	vld [tilespmem:s20+$0x0];
	_ =	sdelay $0x4  }
0xeb: {  	v7 =	vunpack.i.u.bf16.f32 v6;
	v6 =	vunpack.i.l.bf16.f32 v6  }
0xec: {  	v6 =	vmul.f32 v5, v6;
	v7 =	vmul.f32 v5, v7;
	_ =	sdelay $0x1  }
0xed: {  	[tilespmem:s21+$0xFFFFFFC0] =	vst v6  }
0xee: {  	[tilespmem:s21+$0xFFFFFFD0] =	vst v7  }
0xef: {  	v6 =	vld [tilespmem:s20+$0x10];
	_ =	sdelay $0x4  }
0xf0: {  	v7 =	vunpack.i.u.bf16.f32 v6;
	v6 =	vunpack.i.l.bf16.f32 v6  }
0xf1: {  	v6 =	vmul.f32 v6, v5;
	v7 =	vmul.f32 v7, v5;
	_ =	sdelay $0x1  }
0xf2: {  	[tilespmem:s21+$0xFFFFFFE0] =	vst v6  }
0xf3: {  	[tilespmem:s21+$0xFFFFFFF0] =	vst v7  }
0xf4: {  	v6 =	vld [tilespmem:s20+$0x20];
	_ =	sdelay $0x4  }
0xf5: {  	v7 =	vunpack.i.u.bf16.f32 v6;
	v6 =	vunpack.i.l.bf16.f32 v6  }
.Ltmp1:
0xf6: {  	v6 =	vmul.f32 v6, v5;
	v7 =	vmul.f32 v7, v5;
	(pc) =	sbr.rel @p0 .LBB2_5-.Ltmp1, $4  }
0xf7: {  	_ = 	snop  }
0xf8: {  	[tilespmem:s21+$0x0] =	vst v6  }
0xf9: {  	[tilespmem:s21+$0x10] =	vst v7  }
0xfa: {  	v6 =	vld [tilespmem:s20+$0x30]  }
0xfb: {  	_ =	sdelay $0x3  }
0xfc: {  	v7 =	vunpack.i.l.bf16.f32 v6  }
0xfd: {  	v6 =	vunpack.i.u.bf16.f32 v6;
	v7 =	vmul.f32 v7, v5  }
0xfe: {  	v5 =	vmul.f32 v6, v5  }
0xff: {  	p0 =	seq.s32 s16, $0x7C;
	[tilespmem:s22+$0x20] =	vst v7  }
0x100: {  	s18 =	sadd.s32 @!p0 s18, s25;
	[tilespmem:s22+$0x30] =	vst v5  }
0x101: {  	[spmem:s3] =	stream.indirect.scatter.add.f32 [tilespmem:s29], [sflag:$0x3], $0x88, s4, s31, $0xb8;
	[tilespmem:$0x1BB20] =	vst v63  }
0x102: {  	s18 =	smul.u32 @!p0 $0xA, s18;
	_ =	swait.ge [sflag:s11], $0x1540  }
0x103: {  	[sflag:s11] =	ssyncset.done $0x0  }
0x104: {  	s19 =	simm.s32 @!p0 $0x0;
	s18 =	sadd.s32 @!p0 s5, s18;
	[sflag:s11] =	ssyncadd.s32 $0xFFFFEAC0  }
0x105: {  	[tilespmem:s19], [sflag:$0x5] =	stream.linear.gather @!p0 [hbm4b:s18+s19], $0x50, $0x38;
	[tilespmem:$0x1BB20] =	vst v63  }
0x106: {  	s18 =	simm.s32 @!p0 $0x5  }
0x107: {  	_ =	swait.ge @!p0 [sflag:s18], $0x50  }
0x108: {  	[sflag:s18] =	ssyncset.done @!p0 $0x0  }
0x109: {  	s20 =	simm.s32 @!p0 $0x50;
	[sflag:s18] =	ssyncadd.s32 @!p0 $0xFFFFFFB0;
	s18 =	simm.s32 @!p0 $0x28  }
0x10a: {  	[tilespmem:s20], [sflag:$0x1] =	stream.indirect.gather @!p0 [hbm4b:s6+s18], $0x40, s19, s18, $0xb8;
	[tilespmem:$0x1BB20] =	vst v63  }
0x10b: {  	s19 =	simm.s32 @!p0 $0xA50  }
0x10c: {  	[tilespmem:s19], [sflag:$0x2] =	stream.indirect.gather @!p0 [hbm4b:s2+s18], $0x80, s18, s18, $0xb8;
	[tilespmem:$0x1BB20] =	vst v63  }
0x10d: {  	_ =	swait.ge [sflag:s9], $0xA00  }
0x10e: {  	[sflag:s9] =	ssyncset.done $0x0  }
0x10f: {  	[sflag:s9] =	ssyncadd.s32 $0xFFFFF600  }
0x110: {  	_ =	swait.ge [sflag:s10], $0x1400  }
0x111: {  	[sflag:s10] =	ssyncset.done $0x0  }
0x112: {  	s18 =	simm.s32 $0x3400;
	[sflag:s10] =	ssyncadd.s32 $0xFFFFEC00  }
0x113: {  	s19 =	simm.s32 $0x3E20;
	v5 =	vld [tilespmem:s18+$0xFFFFFFE0]  }
0x114: {  	v6 =	vld [tilespmem:s19+$0xFFFFFFD0]  }
0x115: {  	v7 =	vld [tilespmem:s19+$0xFFFFFFC0]  }
0x116: {  	v8 =	vld [tilespmem:s18+$0xFFFFFFF0];
	_ =	sdelay $0x1  }
0x117: {  	v9 =	vld [tilespmem:s19+$0xFFFFFFE0]  }
0x118: {  	v59 =	vld [tilespmem:s18+$0x10];
	v10 =	vunpack.i.u.bf16.f32 v5  }
0x119: {  	v11 =	vld [tilespmem:s18+$0x0];
	v5 =	vunpack.i.l.bf16.f32 v5;
	v12 =	vunpack.i.l.bf16.f32 v6;
	v14 =	vunpack.i.l.bf16.f32 v7  }
0x11a: {  	v15 =	vunpack.i.u.bf16.f32 v8;
	v7 =	vunpack.i.u.bf16.f32 v7;
	v8 =	vunpack.i.l.bf16.f32 v8  }
0x11b: {  	v13 =	vld [tilespmem:s19+$0xFFFFFFF0];
	v6 =	vunpack.i.u.bf16.f32 v6;
	v5 =	vmul.f32 v14, v5;
	v7 =	vmul.f32 v7, v10  }
0x11c: {  	v60 =	vunpack.i.u.bf16.f32 v9;
	v8 =	vmul.f32 v12, v8;
	v6 =	vmul.f32 v6, v15  }
0x11d: {  	v9 =	vunpack.i.l.bf16.f32 v9;
	v62 =	vunpack.i.u.bf16.f32 v59;
	v5 =	vadd.f32 v5, v7  }
0x11e: {  	v7 =	vunpack.i.l.bf16.f32 v11;
	v11 =	vunpack.i.u.bf16.f32 v11;
	v6 =	vadd.f32 v8, v6  }
0x11f: {  	v63 =	vunpack.i.l.bf16.f32 v59;
	v7 =	vmul.f32 v9, v7;
	v61 =	vmul.f32 v60, v11  }
0x120: {  	v8 =	vunpack.i.l.bf16.f32 v13;
	v5 =	vadd.f32 v6, v5;
	v6 =	vunpack.i.u.bf16.f32 v13  }
0x121: {  	v8 =	vmul.f32 v8, v63;
	v7 =	vadd.f32 v7, v61;
	v6 =	vmul.f32 v6, v62;
	_ =	sdelay $0x1  }
0x122: {  	v5 =	vadd.f32 v7, v5;
	v6 =	vadd.f32 v8, v6;
	_ =	sdelay $0x1  }
0x123: {  	v5 =	vadd.f32 v6, v5;
	_ =	sdelay $0x1  }
0x124: {  	(xrf1) =	vsort.ascd.msk.u32 $0xffff, v3, v5;
	_ =	sdelay $0xd  }
0x125: {  	_, v6, _ =	vpop (xrf1)  }
0x126: {  	v5 =	vadd.f32 v6, v5;
	_ =	sdelay $0x1  }
0x127: {  	v5 =	vmul.f32 $1.442695020e+00, v5  }
0x128: {  	s26 =	simm.s32 $0x0  }
0x129: {  	v6 =	vmov s26;
	(erf) = vpow2.f32 v5  }
0x12a: {  	v5 =	vmul.u32 $0x88, v6;
	_ =	sdelay $0x1  }
0x12b: {  	v5 =	vbroadcast v5, $0x0;
	_ =	sdelay $0x1  }
0x12c: {  	v6 =	vadd.s32 v4, v5;
	_ =	sdelay $0x3  }
0x12d: {  	v5 =	vpop (erf)  }
0x12e: {  	[tilespmem:v6+s12+$0x0] =	vst.idx.msk $0xff, v5  }
0x12f: {  	v6 =	vld [tilespmem:s19+$0x0];
	_ =	sdelay $0x4  }
0x130: {  	v7 =	vunpack.i.l.bf16.f32 v6  }
0x131: {  	v6 =	vunpack.i.u.bf16.f32 v6;
	v7 =	vmul.f32 v5, v7  }
0x132: {  	s20 =	simm.s32 $0x5220;
	v6 =	vmul.f32 v5, v6  }
0x133: {  	[tilespmem:s20+$0xFFFFFFC0] =	vst v7  }
0x134: {  	[tilespmem:s20+$0xFFFFFFD0] =	vst v6  }
0x135: {  	v6 =	vld [tilespmem:s19+$0x10];
	_ =	sdelay $0x4  }
0x136: {  	v7 =	vunpack.i.l.bf16.f32 v6  }
0x137: {  	v6 =	vunpack.i.u.bf16.f32 v6;
	v7 =	vmul.f32 v7, v5  }
0x138: {  	v6 =	vmul.f32 v6, v5  }
0x139: {  	[tilespmem:s20+$0xFFFFFFE0] =	vst v7  }
0x13a: {  	[tilespmem:s20+$0xFFFFFFF0] =	vst v6  }
0x13b: {  	v6 =	vld [tilespmem:s19+$0x20];
	_ =	sdelay $0x4  }
0x13c: {  	v7 =	vunpack.i.l.bf16.f32 v6  }
0x13d: {  	v6 =	vunpack.i.u.bf16.f32 v6;
	v7 =	vmul.f32 v7, v5  }
0x13e: {  	v6 =	vmul.f32 v6, v5  }
0x13f: {  	[tilespmem:s20+$0x0] =	vst v7  }
0x140: {  	[tilespmem:s20+$0x10] =	vst v6  }
0x141: {  	s21 =	simm.s32 $0x5220;
	s22 =	simm.s32 $0x1;
	v6 =	vld [tilespmem:s19+$0x30]  }
.LBB2_7:
0x142: {  	_ =	sdelay $0x1  }
0x143: {  	s20 =	sadd.s32 $0x88, s20;
	s19 =	sadd.s32 $0x80, s19;
	s18 =	sadd.s32 $0x40, s18  }
0x144: {  	p0 =	sne.s32 s22, $0x27;
	s23 =	smov.u32 s22;
	s22 =	sadd.s32 $0x1, s22  }
0x145: {  	v7 =	vunpack.i.u.bf16.f32 v6;
	v6 =	vunpack.i.l.bf16.f32 v6  }
0x146: {  	v6 =	vmul.f32 v6, v5;
	v5 =	vmul.f32 v7, v5;
	_ =	sdelay $0x1  }
0x147: {  	[tilespmem:s21+$0x20] =	vst v6  }
0x148: {  	[tilespmem:s21+$0x30] =	vst v5;
	s21 =	smov.u32 s20  }
0x149: {  	v5 =	vld [tilespmem:s18+$0xFFFFFFE0]  }
0x14a: {  	v6 =	vld [tilespmem:s19+$0xFFFFFFD0]  }
0x14b: {  	v7 =	vld [tilespmem:s18+$0xFFFFFFF0]  }
0x14c: {  	v8 =	vld [tilespmem:s19+$0xFFFFFFC0];
	_ =	sdelay $0x1  }
0x14d: {  	v9 =	vld [tilespmem:s19+$0xFFFFFFE0]  }
0x14e: {  	v10 =	vunpack.i.u.bf16.f32 v5;
	v5 =	vunpack.i.l.bf16.f32 v5;
	v11 =	vunpack.i.l.bf16.f32 v6;
	v12 =	vld [tilespmem:s18+$0x0]  }
0x14f: {  	v6 =	vunpack.i.u.bf16.f32 v6;
	v13 =	vunpack.i.u.bf16.f32 v7;
	v7 =	vunpack.i.l.bf16.f32 v7;
	v14 =	vld [tilespmem:s19+$0xFFFFFFF0]  }
0x150: {  	v15 =	vunpack.i.u.bf16.f32 v8;
	v8 =	vunpack.i.l.bf16.f32 v8;
	v7 =	vmul.f32 v11, v7;
	v11 =	vld [tilespmem:s18+$0x10]  }
0x151: {  	v5 =	vmul.f32 v8, v5;
	v8 =	vmul.f32 v15, v10  }
0x152: {  	v6 =	vmul.f32 v6, v13;
	v10 =	vunpack.i.u.bf16.f32 v9;
	v9 =	vunpack.i.l.bf16.f32 v9  }
0x153: {  	v5 =	vadd.f32 v5, v8;
	v8 =	vunpack.i.u.bf16.f32 v12;
	v12 =	vunpack.i.l.bf16.f32 v12  }
0x154: {  	v6 =	vadd.f32 v7, v6;
	v7 =	vmul.f32 v9, v12;
	v9 =	vunpack.i.l.bf16.f32 v14  }
0x155: {  	v8 =	vmul.f32 v10, v8;
	v10 =	vunpack.i.u.bf16.f32 v11;
	v11 =	vunpack.i.l.bf16.f32 v11  }
0x156: {  	v5 =	vadd.f32 v6, v5;
	v6 =	vunpack.i.u.bf16.f32 v14;
	v9 =	vmul.f32 v9, v11  }
0x157: {  	v7 =	vadd.f32 v7, v8;
	v6 =	vmul.f32 v6, v10;
	_ =	sdelay $0x1  }
0x158: {  	v5 =	vadd.f32 v7, v5;
	v6 =	vadd.f32 v9, v6;
	_ =	sdelay $0x1  }
0x159: {  	v5 =	vadd.f32 v6, v5;
	_ =	sdelay $0x1  }
0x15a: {  	(xrf1) =	vsort.ascd.msk.u32 $0xffff, v3, v5;
	_ =	sdelay $0xd  }
0x15b: {  	_, v6, _ =	vpop (xrf1)  }
0x15c: {  	v5 =	vadd.f32 v6, v5;
	_ =	sdelay $0x1  }
0x15d: {  	v5 =	vmul.f32 $1.442695020e+00, v5;
	_ =	sdelay $0x1  }
0x15e: {  	v6 =	vmov s23;
	(erf) = vpow2.f32 v5  }
0x15f: {  	v5 =	vmul.u32 $0x88, v6;
	_ =	sdelay $0x1  }
0x160: {  	v5 =	vbroadcast v5, $0x0;
	_ =	sdelay $0x1  }
0x161: {  	v6 =	vadd.s32 v4, v5;
	_ =	sdelay $0x3  }
0x162: {  	v5 =	vpop (erf)  }
0x163: {  	[tilespmem:v6+s12+$0x0] =	vst.idx.msk $0xff, v5  }
0x164: {  	v6 =	vld [tilespmem:s19+$0x0];
	_ =	sdelay $0x4  }
0x165: {  	v7 =	vunpack.i.u.bf16.f32 v6;
	v6 =	vunpack.i.l.bf16.f32 v6  }
0x166: {  	v6 =	vmul.f32 v5, v6;
	v7 =	vmul.f32 v5, v7;
	_ =	sdelay $0x1  }
0x167: {  	[tilespmem:s20+$0xFFFFFFC0] =	vst v6  }
0x168: {  	[tilespmem:s20+$0xFFFFFFD0] =	vst v7  }
0x169: {  	v6 =	vld [tilespmem:s19+$0x10];
	_ =	sdelay $0x4  }
0x16a: {  	v7 =	vunpack.i.u.bf16.f32 v6;
	v6 =	vunpack.i.l.bf16.f32 v6  }
0x16b: {  	v6 =	vmul.f32 v6, v5;
	v7 =	vmul.f32 v7, v5;
	_ =	sdelay $0x1  }
0x16c: {  	[tilespmem:s20+$0xFFFFFFE0] =	vst v6  }
0x16d: {  	[tilespmem:s20+$0xFFFFFFF0] =	vst v7  }
0x16e: {  	v6 =	vld [tilespmem:s19+$0x20];
	_ =	sdelay $0x4  }
0x16f: {  	v7 =	vunpack.i.u.bf16.f32 v6;
	v6 =	vunpack.i.l.bf16.f32 v6  }
.Ltmp2:
0x170: {  	v6 =	vmul.f32 v6, v5;
	v7 =	vmul.f32 v7, v5;
	(pc) =	sbr.rel @p0 .LBB2_7-.Ltmp2, $4  }
0x171: {  	_ = 	snop  }
0x172: {  	[tilespmem:s20+$0x0] =	vst v6  }
0x173: {  	[tilespmem:s20+$0x10] =	vst v7  }
0x174: {  	v6 =	vld [tilespmem:s19+$0x30]  }
0x175: {  	_ =	sdelay $0x2  }
0x176: {  	s16 =	sadd.s32 $0x1, s16  }
0x177: {  	p0 =	sne.s32 s16, $0x7D;
	v7 =	vunpack.i.l.bf16.f32 v6  }
.Ltmp3:
0x178: {  	v6 =	vunpack.i.u.bf16.f32 v6;
	v7 =	vmul.f32 v7, v5;
	(pc) =	sbr.rel @p0 .LBB2_4-.Ltmp3, $4  }
0x179: {  	v5 =	vmul.f32 v6, v5  }
0x17a: {  	[tilespmem:s21+$0x20] =	vst v7  }
0x17b: {  	[tilespmem:s21+$0x30] =	vst v5  }
0x17c: {  	[spmem:s3] =	stream.indirect.scatter.add.f32 [tilespmem:s12], [sflag:$0x4], $0x88, s1, s31, $0xb8;
	[tilespmem:$0x1BB20] =	vst v63  }
0x17d: {  	_ =	swait.ge [sflag:s13], $0x1540  }
0x17e: {  	s15 =	stileid.u32;
	[sflag:s13] =	ssyncset.done $0x0  }
0x17f: {  	s16 =	sshrl.u32 s17, $0x3;
	s14 =	sadd.s32 $0x1, s14;
	[sflag:s13] =	ssyncadd.s32 $0xFFFFEAC0  }
0x180: {  	s15 =	sshll.u32 s15, $0x6;
	p0 =	sne.s32 s14, s28;
	[bflag:$0x0] =	sbarrier.arrive $0xFFFF  }
.Ltmp4:
0x181: {  	s15 =	sor.u32 $0x1C05, s15;
	s18 =	rddreg [dreg:$0x14];
	(pc) =	sbr.rel @p0 .LBB2_1-.Ltmp4, $4  }
0x182: {  	[hbm:s18], [sflag:s15] =	dma.local [spmem:s16], $0x2A80  }
0x183: {  	_ =	swait.ge [sflag:s30], $0x2A80  }
0x184: {  	[sflag:s30] =	ssyncset.done $0x0  }
0x185: {  	[sflag:s30] =	ssyncadd.s32 $0xFFFFD580  }
0x186: {  	_ =	sfence.sel $0x180000  }
0x187: {  	[bflag:$0x0] =	sbarrier.arrive $0xFFFF  }
0x188: {  	_ =	strace $0x90000047  }
0x189: {  	s0 =	stileid.u32;
	[bflag:$0x2] =	sbarrier.arrive $0xFFFF  }
0x18a: {  	p0 =	sne.s32 s0, $0x0;
	s0 =	rddreg [dreg:$0x3]  }
0x18b: {  	s0 =	sadd.s32 @!p0 $0x100000, s0  }
0x18c: {  	[sflag:s0] =	ssyncadd.tile.s32 @!p0 $0x1;
	_ =	shalt  }
.Lfunc_end2:
_tile_overlayer_lowered:
.L_overlay_start_2:
0x18d: {  	(tag) =	ssettag $0x2  }
0x18e: {  	s0 =	rddreg [dreg:$0x0];
	s2 =	stileid.u32  }
0x18f: {  	s1 =	rddreg [dreg:$0x1];
	p0 =	sne.s32 s2, $0x0  }
0x190: {  	s3 =	rddreg [dreg:$0x2];
	[bflag:$0x3] =	sbarrier.arrive $0xFFFF;
	s2 =	simm.s32 @!p0 $0x1C05  }
0x191: {  	[timem:s3], [sflag:s2] =	dma.local @!p0 [hbm:s0], s1  }
0x192: {  	s0 =	simm.s32 @!p0 $0x5  }
0x193: {  	_ =	swait.ge @!p0 [sflag:s0], s1  }
0x194: {  	s1 =	ssub.s32 @!p0 $0x0, s1;
	[sflag:s0] =	ssyncset.done @!p0 $0x0  }
0x195: {  	[sflag:s0] =	ssyncadd.s32 @!p0 s1  }
0x196: {  	[bflag:$0x3] =	sbarrier.arrive $0xFFFF  }
0x197: {  	_ =	shalt  }

</sc_bundles>
